<compile_context>
chip_gen: v7x
topology: tpu7x:2x2x1
jax: 0.10.2.dev20260603
libtpu: 0.0.44.dev20260713+nightly
codegen_flags: <defaults>
</compile_context>

<pallas_src>
import functools

import jax
import jax.numpy as jnp
from jax import lax
from jax.experimental import pallas as pl
from jax.experimental.pallas import tpu as pltpu
from jax.experimental.pallas import tpu_sc as plsc

NEG_SLOPE = 0.2
BN_EPS = 1e-5

NC = 2
NS = 16
LANES = 16
BLK = 80
WPAD = 8


def _proj_body(nheads, cph, x_ref, w_ref, aw_s_ref, aw_d_ref,
               h2_ref, a8_ref):
    h = jnp.dot(x_ref[...], w_ref[...], preferred_element_type=jnp.float32)
    ho = h.shape[1]
    h2_ref[0] = h[:, :ho // 2]
    h2_ref[1] = h[:, ho // 2:]
    cols = []
    for aw_ref in (aw_s_ref, aw_d_ref):
        for hd in range(nheads):
            blk = h[:, hd * cph:(hd + 1) * cph]
            cols.append(jnp.sum(blk * aw_ref[pl.ds(hd, 1), :], axis=1,
                                keepdims=True))
    a8_ref[...] = jnp.concatenate(cols, axis=1)


def _proj(x, W, att_src, att_dst):
    n = x.shape[0]
    nheads, cph = att_src.shape
    ho = W.shape[1]
    bn = 1000
    return pl.pallas_call(
        functools.partial(_proj_body, nheads, cph),
        grid=(n // bn,),
        in_specs=[
            pl.BlockSpec((bn, x.shape[1]), lambda i: (i, 0)),
            pl.BlockSpec(W.shape, lambda i: (0, 0)),
            pl.BlockSpec(att_src.shape, lambda i: (0, 0)),
            pl.BlockSpec(att_dst.shape, lambda i: (0, 0)),
        ],
        out_specs=[
            pl.BlockSpec((NC, bn, ho // NC), lambda i: (0, i, 0)),
            pl.BlockSpec((bn, 2 * nheads), lambda i: (i, 0)),
        ],
        out_shape=[
            jax.ShapeDtypeStruct((NC, n, ho // NC), jnp.float32),
            jax.ShapeDtypeStruct((n, 2 * nheads), jnp.float32),
        ],
    )(x, W, att_src, att_dst)


def _sc_edges(h2, a8, eidx, shift16):
    _, n, cpc = h2.shape
    nheads = a8.shape[1] // 2
    hpc = nheads // NC
    cph = cpc // hpc
    e = eidx.shape[1]
    ept = e // NS
    nchunks = ept // BLK
    assert e % NS == 0 and ept % BLK == 0
    rpt = (n // NS + 7) // 8 * 8
    lrpt = n - (NS - 1) * rpt
    assert lrpt > 0 and lrpt % 8 == 0 and n % 8 == 0

    mesh = plsc.VectorSubcoreMesh(core_axis_name="c", subcore_axis_name="s")

    @functools.partial(
        pl.kernel,
        compiler_params=pltpu.CompilerParams(
            use_tc_tiling_on_sc=False, needs_layout_passes=False),
        out_type=[
            jax.ShapeDtypeStruct((NC, n, cpc), jnp.float32),
            jax.ShapeDtypeStruct((NC, n, WPAD), jnp.float32),
        ],
        mesh=mesh,
        scratch_types=[
            pltpu.VMEM((n, 2 * nheads), jnp.float32),
            pltpu.VMEM((2, BLK), jnp.int32),
            pltpu.VMEM((BLK, cpc), jnp.float32),
            pltpu.VMEM((BLK, WPAD), jnp.float32),
            pltpu.VMEM((LANES,), jnp.float32),
            pltpu.VMEM_SHARED((n, cpc), jnp.float32),
            pltpu.VMEM_SHARED((n, WPAD), jnp.float32),
            pltpu.SemaphoreType.DMA,
        ],
    )
    def k(h2_hbm, a8_hbm, ei_hbm, sh_hbm, zacc_hbm, zden_hbm,
          acc_out, den_out, a8_t, idx_v, hrow_v, w_v, sh_v,
          acc_sh, den_sh, sem):
        c = lax.axis_index("c")
        s = lax.axis_index("s")
        pltpu.sync_copy(a8_hbm, a8_t)
        pltpu.sync_copy(sh_hbm, sh_v)
        iota = lax.iota(jnp.int32, LANES)

        def zbody(z, cz):
            plsc.store_scatter(w_v, [2 * z + (iota >> 3), iota & 7],
                               jnp.zeros((LANES,), jnp.float32))
            return cz

        lax.fori_loop(0, BLK * WPAD // LANES, zbody, 0)
        rs = s * rpt

        @pl.when(s < NS - 1)
        def _():
            pltpu.sync_copy(zacc_hbm.at[pl.ds(rs, rpt)],
                            acc_sh.at[pl.ds(rs, rpt)])
            pltpu.sync_copy(zden_hbm.at[pl.ds(rs, rpt)],
                            den_sh.at[pl.ds(rs, rpt)])

        @pl.when(s == NS - 1)
        def _():
            pltpu.sync_copy(zacc_hbm.at[pl.ds(rs, lrpt)],
                            acc_sh.at[pl.ds(rs, lrpt)])
            pltpu.sync_copy(zden_hbm.at[pl.ds(rs, lrpt)],
                            den_sh.at[pl.ds(rs, lrpt)])

        plsc.subcore_barrier()

        oct_ = iota >> 1
        hp2 = iota & 1
        ghead = hp2 + hpc * c
        shv = plsc.load_gather(sh_v, [ghead])
        ebase = s * ept

        zero16 = iota * 0
        one16 = zero16 + 1

        def chunk_body(kk, carry):
            base = ebase + kk * BLK
            pltpu.sync_copy(ei_hbm.at[:, pl.ds(base, BLK)], idx_v)
            pltpu.async_copy(h2_hbm.at[c].at[idx_v.at[0]], hrow_v, sem).wait()

            @plsc.parallel_loop(0, BLK // 8, unroll=2)
            def _(j):
                erow = oct_ + 8 * j
                srcrep = plsc.load_gather(idx_v, [zero16, erow])
                dstrep = plsc.load_gather(idx_v, [one16, erow])
                asv = plsc.load_gather(a8_t, [srcrep, ghead])
                adv = plsc.load_gather(a8_t, [dstrep, ghead + nheads])
                al = asv + adv
                al = jnp.where(al >= 0.0, al, al * NEG_SLOPE)
                wv = jnp.exp(al - shv)
                plsc.store_scatter(w_v, [erow, hp2], wv)

            @plsc.parallel_loop(0, BLK, unroll=4)
            def _(ei):
                for hd in range(hpc):
                    wsp = plsc.load_gather(
                        w_v, [jnp.full((LANES,), ei, jnp.int32),
                              jnp.full((LANES,), hd, jnp.int32)])
                    for q in range(cph // LANES):
                        col = hd * cph + q * LANES
                        hrow_v[ei, pl.ds(col, LANES)] = (
                            hrow_v[ei, pl.ds(col, LANES)] * wsp)

            pltpu.sync_copy(hrow_v, acc_sh.at[idx_v.at[1]], add=True)
            pltpu.sync_copy(w_v, den_sh.at[idx_v.at[1]], add=True)
            return carry

        lax.fori_loop(0, nchunks, chunk_body, 0)
        plsc.subcore_barrier()

        @pl.when(s < NS - 1)
        def _():
            pltpu.sync_copy(acc_sh.at[pl.ds(rs, rpt)],
                            acc_out.at[c, pl.ds(rs, rpt)])
            pltpu.sync_copy(den_sh.at[pl.ds(rs, rpt)],
                            den_out.at[c, pl.ds(rs, rpt)])

        @pl.when(s == NS - 1)
        def _():
            pltpu.sync_copy(acc_sh.at[pl.ds(rs, lrpt)],
                            acc_out.at[c, pl.ds(rs, lrpt)])
            pltpu.sync_copy(den_sh.at[pl.ds(rs, lrpt)],
                            den_out.at[c, pl.ds(rs, lrpt)])

    zacc = jnp.zeros((n, cpc), jnp.float32)
    zden = jnp.zeros((n, WPAD), jnp.float32)
    return k(h2, a8, eidx, shift16, zacc, zden)


def _ep1_body(nheads, cph, acc_ref, den_ref, h_ref, a8_ref, sh_ref,
              bias_ref, o_ref, stats_ref):
    i = pl.program_id(0)
    bn = h_ref.shape[0]
    al = a8_ref[:, :nheads] + a8_ref[:, nheads:]
    al = jnp.where(al >= 0.0, al, al * NEG_SLOPE)
    ws = jnp.exp(al - sh_ref[...])
    dent = den_ref[...] + ws
    wrep = jnp.concatenate(
        [jnp.broadcast_to(ws[:, hd:hd + 1], (bn, cph)) for hd in range(nheads)],
        axis=1)
    drep = jnp.concatenate(
        [jnp.broadcast_to(dent[:, hd:hd + 1], (bn, cph))
         for hd in range(nheads)], axis=1)
    acct = acc_ref[...] + wrep * h_ref[...]
    o = acct / (drep + 1e-16) + bias_ref[...]
    o_ref[...] = o
    st = jnp.concatenate([jnp.sum(o, axis=0, keepdims=True),
                          jnp.sum(o * o, axis=0, keepdims=True)], axis=0)

    @pl.when(i == 0)
    def _():
        stats_ref[...] = jnp.zeros_like(stats_ref)

    stats_ref[...] += st


def _ep1(acc, den4, h, a8, shift, bias):
    n, ho = h.shape
    nheads = a8.shape[1] // 2
    cph = ho // nheads
    bn = 1000
    full = lambda a: pl.BlockSpec(a.shape, lambda i: tuple(0 for _ in a.shape))
    row = lambda w: pl.BlockSpec((bn, w), lambda i: (i, 0))
    return pl.pallas_call(
        functools.partial(_ep1_body, nheads, cph),
        grid=(n // bn,),
        in_specs=[row(ho), row(nheads), row(ho), row(2 * nheads),
                  full(shift), full(bias)],
        out_specs=[row(ho), pl.BlockSpec((2, ho), lambda i: (0, 0))],
        out_shape=[jax.ShapeDtypeStruct((n, ho), jnp.float32),
                   jax.ShapeDtypeStruct((2, ho), jnp.float32)],
    )(acc, den4, h, a8, shift, bias)


def _ep2_body(o_ref, mean_ref, var_ref, g_ref, b_ref, out_ref):
    xn = (o_ref[...] - mean_ref[...]) * lax.rsqrt(var_ref[...] + BN_EPS)
    xn = xn * g_ref[...] + b_ref[...]
    out_ref[...] = jnp.where(xn > 0.0, xn, jnp.exp(xn) - 1.0)


def _ep2(o, mean, var, gamma, beta):
    n, ho = o.shape
    bn = 1000
    full = lambda a: pl.BlockSpec(a.shape, lambda i: tuple(0 for _ in a.shape))
    return pl.pallas_call(
        _ep2_body,
        grid=(n // bn,),
        in_specs=[pl.BlockSpec((bn, ho), lambda i: (i, 0)),
                  full(mean), full(var), full(gamma), full(beta)],
        out_specs=pl.BlockSpec((bn, ho), lambda i: (i, 0)),
        out_shape=jax.ShapeDtypeStruct((n, ho), jnp.float32),
    )(o, mean, var, gamma, beta)


def kernel(x, edge_index, W, att_src, att_dst, bias, bn_gamma, bn_beta):
    n = x.shape[0]
    ho = W.shape[1]
    nheads = att_src.shape[0]
    hpc = nheads // NC

    h2, a8 = _proj(x, W, att_src, att_dst)

    m = jnp.max(a8[:, :nheads], axis=0) + jnp.max(a8[:, nheads:], axis=0)
    shift = jnp.where(m >= 0.0, m, m * NEG_SLOPE)
    shift16 = jnp.tile(shift, LANES // nheads)

    acc, den = _sc_edges(h2, a8, edge_index, shift16)

    h_full = jnp.concatenate([h2[0], h2[1]], axis=1)
    acc_full = jnp.concatenate([acc[0], acc[1]], axis=1)
    den4 = jnp.concatenate([den[0, :, :hpc], den[1, :, :hpc]], axis=1)

    o, stats = _ep1(acc_full, den4, h_full, a8,
                    shift.reshape(1, nheads), bias.reshape(1, ho))
    mean = (stats[0] / n).reshape(1, ho)
    var = (stats[1] / n).reshape(1, ho) - mean * mean
    return _ep2(o, mean, var, bn_gamma.reshape(1, ho), bn_beta.reshape(1, ho))

# --- scband reference (transcript-rebuilt; emitter-appended) ---
"""Pipeline reference for scband-gatlayer-12335146074235 (READ-ONLY COPY).

The authoritative reference and input builder live on the scoring server;
editing this copy changes nothing except your own understanding.
"""

import jax, jax.numpy as jnp
import numpy as np

N = 10000
E = 320000
IN_CH = 128
HEADS = 4
OUT_CH = 32  # per head; concat -> 128 final
NEG_SLOPE = 0.2
BN_EPS = 1e-5


def setup_inputs(seed: int = 0) -> dict:
    key = jax.random.key(seed)
    k1, k2, k3, k4, k5 = jax.random.split(key, 5)
    x = jax.random.normal(k1, (N, IN_CH), dtype=jnp.float32)
    edge_index = jax.random.randint(k2, (2, E), 0, N, dtype=jnp.int32)
    # GATConv learned parameters
    W = jax.random.normal(k3, (IN_CH, HEADS * OUT_CH), dtype=jnp.float32) * 0.1
    att_src = jax.random.normal(k4, (HEADS, OUT_CH), dtype=jnp.float32) * 0.1
    att_dst = jax.random.normal(k5, (HEADS, OUT_CH), dtype=jnp.float32) * 0.1
    bias = jnp.zeros((HEADS * OUT_CH,), dtype=jnp.float32)
    # BatchNorm parameters (training-mode batch statistics)
    bn_gamma = jnp.ones((HEADS * OUT_CH,), dtype=jnp.float32)
    bn_beta = jnp.zeros((HEADS * OUT_CH,), dtype=jnp.float32)
    return {"x": x, "edge_index": edge_index, "W": W, "att_src": att_src,
            "att_dst": att_dst, "bias": bias, "bn_gamma": bn_gamma, "bn_beta": bn_beta}


def reference(x, edge_index, W, att_src, att_dst, bias, bn_gamma, bn_beta):
    n = x.shape[0]
    # Linear projection per head
    h = (x @ W).reshape(n, HEADS, OUT_CH)
    # Per-node attention logit contributions
    a_src = jnp.sum(h * att_src[None, :, :], axis=-1)  # [N, H]
    a_dst = jnp.sum(h * att_dst[None, :, :], axis=-1)  # [N, H]
    # Add self loops
    loop = jnp.arange(n, dtype=edge_index.dtype)
    src = jnp.concatenate([edge_index[0], loop])
    dst = jnp.concatenate([edge_index[1], loop])
    # Edge attention logits + LeakyReLU
    alpha = a_src[src] + a_dst[dst]  # [E+N, H]
    alpha = jax.nn.leaky_relu(alpha, NEG_SLOPE)
    # Softmax over incoming edges of each dst node (segment softmax)
    amax = jax.ops.segment_max(alpha, dst, num_segments=n)
    alpha = jnp.exp(alpha - amax[dst])
    denom = jax.ops.segment_sum(alpha, dst, num_segments=n)
    alpha = alpha / (denom[dst] + 1e-16)
    # Weighted message aggregation (scatter-add by dst)
    msg = h[src] * alpha[:, :, None]  # [E+N, H, C]
    out = jax.ops.segment_sum(msg, dst, num_segments=n)  # [N, H, C]
    out = out.reshape(n, HEADS * OUT_CH) + bias  # concat heads
    # BatchNorm (training mode: batch statistics)
    mean = jnp.mean(out, axis=0)
    var = jnp.var(out, axis=0)
    out = (out - mean) / jnp.sqrt(var + BN_EPS) * bn_gamma + bn_beta
    # ELU activation
    out = jax.nn.elu(out)
    return out

if __name__ == "__main__":
    import jax
    _d = setup_inputs()
    print(jax.jit(kernel)(*tuple(_d.values())))

</pallas_src>

<mosaic_0001>
#map = affine_map<(d0, d1) -> (0, 0, 0)>
#map1 = affine_map<(d0, d1) -> (0, 0)>
#map2 = affine_map<(d0, d1) -> (0)>
module attributes {stable_mosaic.version = 14 : i64} {
  func.func @k(%arg0: i32, %arg1: i32, %arg2: memref<2x10000x64xf32, #tpu.memory_space<hbm>>, %arg3: memref<10000x8xf32, #tpu.memory_space<hbm>>, %arg4: memref<2x320000xi32, #tpu.memory_space<hbm>>, %arg5: memref<16xf32, #tpu.memory_space<hbm>>, %arg6: memref<10000x64xf32, #tpu.memory_space<hbm>>, %arg7: memref<10000x8xf32, #tpu.memory_space<hbm>>, %arg8: memref<2x10000x64xf32, #tpu.memory_space<hbm>>, %arg9: memref<2x10000x8xf32, #tpu.memory_space<hbm>>, %arg10: memref<10000x8xf32, #tpu.memory_space<vmem>>, %arg11: memref<2x80xi32, #tpu.memory_space<vmem>>, %arg12: memref<80x64xf32, #tpu.memory_space<vmem>>, %arg13: memref<80x8xf32, #tpu.memory_space<vmem>>, %arg14: memref<16xf32, #tpu.memory_space<vmem>>, %arg15: memref<10000x64xf32, #tpu.memory_space<vmem_shared>>, %arg16: memref<10000x8xf32, #tpu.memory_space<vmem_shared>>, %arg17: memref<!tpu.dma_semaphore, #tpu.memory_space<semaphore_mem>>) attributes {dimension_semantics = [#tpu.dimension_semantics<core_parallel>, #tpu.dimension_semantics<subcore_parallel>], iteration_bounds = array<i64: 2, 16>, scalar_prefetch = 0 : i64, scratch_operands = 8 : i64, tpu.core_type = #tpu.core_type<sc_vector_subcore>, window_params = [{transform_indices = #map}, {transform_indices = #map1}, {transform_indices = #map1}, {transform_indices = #map2}, {transform_indices = #map1}, {transform_indices = #map1}, {transform_indices = #map}, {transform_indices = #map}]} {
    "tpu.region"() ({
      %run_scoped3A = tpu.sem_alloc : memref<!tpu.dma_semaphore, #tpu.memory_space<semaphore_mem>>
      tpu.enqueue_dma source(%arg3 : memref<10000x8xf32, #tpu.memory_space<hbm>>) target(%arg10 : memref<10000x8xf32, #tpu.memory_space<vmem>>) target_semaphore(%run_scoped3A : memref<!tpu.dma_semaphore, #tpu.memory_space<semaphore_mem>>)
      tpu.wait_dma2 semaphore(%run_scoped3A : memref<!tpu.dma_semaphore, #tpu.memory_space<semaphore_mem>>) src(%arg3 : memref<10000x8xf32, #tpu.memory_space<hbm>>) dst(%arg10 : memref<10000x8xf32, #tpu.memory_space<vmem>>)
      tpu.yield
    }) : () -> ()
    "tpu.region"() ({
      %run_scoped3A = tpu.sem_alloc : memref<!tpu.dma_semaphore, #tpu.memory_space<semaphore_mem>>
      tpu.enqueue_dma source(%arg5 : memref<16xf32, #tpu.memory_space<hbm>>) target(%arg14 : memref<16xf32, #tpu.memory_space<vmem>>) target_semaphore(%run_scoped3A : memref<!tpu.dma_semaphore, #tpu.memory_space<semaphore_mem>>)
      tpu.wait_dma2 semaphore(%run_scoped3A : memref<!tpu.dma_semaphore, #tpu.memory_space<semaphore_mem>>) src(%arg5 : memref<16xf32, #tpu.memory_space<hbm>>) dst(%arg14 : memref<16xf32, #tpu.memory_space<vmem>>)
      tpu.yield
    }) : () -> ()
    %iota3A = tpu.iota {dimensions = array<i32: 0>} : vector<16xi32>
    %scan3A = arith.constant 0 : i32
    %scan3A_0 = arith.constant 0 : i32
    %scan3A_1 = arith.constant 40 : i32
    %scan3A_2 = arith.addi %scan3A_0, %scan3A_1 : i32
    %scan3A_3 = arith.constant 1 : i32
    scf.for %scan3A_44 = %scan3A_0 to %scan3A_2 step %scan3A_3  : i32 {
      %mul3A_45 = arith.constant 2 : i32
      %mul3A_46 = arith.muli %mul3A_45, %scan3A_44 : i32
      %shift_right_arithmetic3A_47 = arith.constant 3 : i32
      %shift_right_arithmetic3A_48 = vector.broadcast %shift_right_arithmetic3A_47 : i32 to vector<16xi32>
      %shift_right_arithmetic3A_49 = arith.shrsi %iota3A, %shift_right_arithmetic3A_48 : vector<16xi32>
      %add3A_50 = vector.broadcast %mul3A_46 : i32 to vector<16xi32>
      %add3A_51 = arith.addi %add3A_50, %shift_right_arithmetic3A_49 : vector<16xi32>
      %and3A_52 = arith.constant 7 : i32
      %and3A_53 = vector.broadcast %and3A_52 : i32 to vector<16xi32>
      %and3A_54 = arith.andi %iota3A, %and3A_53 : vector<16xi32>
      %broadcast_in_dim3A = arith.constant 0.000000e+00 : f32
      %broadcast_in_dim3A_55 = vector.broadcast %broadcast_in_dim3A : f32 to vector<16xf32>
      tpu.vector_store_idx %arg13[%add3A_51, %and3A_54], %broadcast_in_dim3A_55 : memref<80x8xf32, #tpu.memory_space<vmem>>[vector<16xi32>, vector<16xi32>], vector<16xf32>,
    }
    %scan3A_4 = arith.constant 40 : i32
    %mul3A = arith.constant 632 : i32
    %mul3A_5 = arith.muli %arg1, %mul3A : i32
    %lt3A = arith.constant 15 : i32
    %lt3A_6 = arith.cmpi slt, %arg1, %lt3A : i32
    %convert_element_type3A = arith.extui %lt3A_6 : i1 to i32
    %cond3A = arith.constant 0 : i32
    %cond3A_7 = arith.cmpi ne, %convert_element_type3A, %cond3A : i32
    scf.if %cond3A_7 {
      "tpu.region"() ({
        %run_scoped3A = tpu.sem_alloc : memref<!tpu.dma_semaphore, #tpu.memory_space<semaphore_mem>>
        %dma_start3A = arith.constant 0 : i32
        %dma_start3A_44 = tpu.memref_slice %arg15[%mul3A_5, %dma_start3A] : memref<10000x64xf32, #tpu.memory_space<vmem_shared>> -> memref<632x64xf32, #tpu.memory_space<vmem_shared>>
        %dma_start3A_45 = arith.constant 0 : i32
        %dma_start3A_46 = tpu.memref_slice %arg6[%mul3A_5, %dma_start3A_45] : memref<10000x64xf32, #tpu.memory_space<hbm>> -> memref<632x64xf32, #tpu.memory_space<hbm>>
        tpu.enqueue_dma source(%dma_start3A_46 : memref<632x64xf32, #tpu.memory_space<hbm>>) target(%dma_start3A_44 : memref<632x64xf32, #tpu.memory_space<vmem_shared>>) target_semaphore(%run_scoped3A : memref<!tpu.dma_semaphore, #tpu.memory_space<semaphore_mem>>)
        %dma_wait3A = arith.constant 0 : i32
        %dma_wait3A_47 = tpu.memref_slice %arg15[%mul3A_5, %dma_wait3A] : memref<10000x64xf32, #tpu.memory_space<vmem_shared>> -> memref<632x64xf32, #tpu.memory_space<vmem_shared>>
        %dma_wait3A_48 = arith.constant 0 : i32
        %dma_wait3A_49 = tpu.memref_slice %arg6[%mul3A_5, %dma_wait3A_48] : memref<10000x64xf32, #tpu.memory_space<hbm>> -> memref<632x64xf32, #tpu.memory_space<hbm>>
        tpu.wait_dma2 semaphore(%run_scoped3A : memref<!tpu.dma_semaphore, #tpu.memory_space<semaphore_mem>>) src(%dma_wait3A_49 : memref<632x64xf32, #tpu.memory_space<hbm>>) dst(%dma_wait3A_47 : memref<632x64xf32, #tpu.memory_space<vmem_shared>>)
        tpu.yield
      }) : () -> ()
      "tpu.region"() ({
        %run_scoped3A = tpu.sem_alloc : memref<!tpu.dma_semaphore, #tpu.memory_space<semaphore_mem>>
        %dma_start3A = arith.constant 0 : i32
        %dma_start3A_44 = tpu.memref_slice %arg16[%mul3A_5, %dma_start3A] : memref<10000x8xf32, #tpu.memory_space<vmem_shared>> -> memref<632x8xf32, #tpu.memory_space<vmem_shared>>
        %dma_start3A_45 = arith.constant 0 : i32
        %dma_start3A_46 = tpu.memref_slice %arg7[%mul3A_5, %dma_start3A_45] : memref<10000x8xf32, #tpu.memory_space<hbm>> -> memref<632x8xf32, #tpu.memory_space<hbm>>
        tpu.enqueue_dma source(%dma_start3A_46 : memref<632x8xf32, #tpu.memory_space<hbm>>) target(%dma_start3A_44 : memref<632x8xf32, #tpu.memory_space<vmem_shared>>) target_semaphore(%run_scoped3A : memref<!tpu.dma_semaphore, #tpu.memory_space<semaphore_mem>>)
        %dma_wait3A = arith.constant 0 : i32
        %dma_wait3A_47 = tpu.memref_slice %arg16[%mul3A_5, %dma_wait3A] : memref<10000x8xf32, #tpu.memory_space<vmem_shared>> -> memref<632x8xf32, #tpu.memory_space<vmem_shared>>
        %dma_wait3A_48 = arith.constant 0 : i32
        %dma_wait3A_49 = tpu.memref_slice %arg7[%mul3A_5, %dma_wait3A_48] : memref<10000x8xf32, #tpu.memory_space<hbm>> -> memref<632x8xf32, #tpu.memory_space<hbm>>
        tpu.wait_dma2 semaphore(%run_scoped3A : memref<!tpu.dma_semaphore, #tpu.memory_space<semaphore_mem>>) src(%dma_wait3A_49 : memref<632x8xf32, #tpu.memory_space<hbm>>) dst(%dma_wait3A_47 : memref<632x8xf32, #tpu.memory_space<vmem_shared>>)
        tpu.yield
      }) : () -> ()
    } else {
    }
    %eq3A = arith.constant 15 : i32
    %eq3A_8 = arith.cmpi eq, %arg1, %eq3A : i32
    %convert_element_type3A_9 = arith.extui %eq3A_8 : i1 to i32
    %cond3A_10 = arith.constant 0 : i32
    %cond3A_11 = arith.cmpi ne, %convert_element_type3A_9, %cond3A_10 : i32
    scf.if %cond3A_11 {
      "tpu.region"() ({
        %run_scoped3A = tpu.sem_alloc : memref<!tpu.dma_semaphore, #tpu.memory_space<semaphore_mem>>
        %dma_start3A = arith.constant 0 : i32
        %dma_start3A_44 = tpu.memref_slice %arg15[%mul3A_5, %dma_start3A] : memref<10000x64xf32, #tpu.memory_space<vmem_shared>> -> memref<520x64xf32, #tpu.memory_space<vmem_shared>>
        %dma_start3A_45 = arith.constant 0 : i32
        %dma_start3A_46 = tpu.memref_slice %arg6[%mul3A_5, %dma_start3A_45] : memref<10000x64xf32, #tpu.memory_space<hbm>> -> memref<520x64xf32, #tpu.memory_space<hbm>>
        tpu.enqueue_dma source(%dma_start3A_46 : memref<520x64xf32, #tpu.memory_space<hbm>>) target(%dma_start3A_44 : memref<520x64xf32, #tpu.memory_space<vmem_shared>>) target_semaphore(%run_scoped3A : memref<!tpu.dma_semaphore, #tpu.memory_space<semaphore_mem>>)
        %dma_wait3A = arith.constant 0 : i32
        %dma_wait3A_47 = tpu.memref_slice %arg15[%mul3A_5, %dma_wait3A] : memref<10000x64xf32, #tpu.memory_space<vmem_shared>> -> memref<520x64xf32, #tpu.memory_space<vmem_shared>>
        %dma_wait3A_48 = arith.constant 0 : i32
        %dma_wait3A_49 = tpu.memref_slice %arg6[%mul3A_5, %dma_wait3A_48] : memref<10000x64xf32, #tpu.memory_space<hbm>> -> memref<520x64xf32, #tpu.memory_space<hbm>>
        tpu.wait_dma2 semaphore(%run_scoped3A : memref<!tpu.dma_semaphore, #tpu.memory_space<semaphore_mem>>) src(%dma_wait3A_49 : memref<520x64xf32, #tpu.memory_space<hbm>>) dst(%dma_wait3A_47 : memref<520x64xf32, #tpu.memory_space<vmem_shared>>)
        tpu.yield
      }) : () -> ()
      "tpu.region"() ({
        %run_scoped3A = tpu.sem_alloc : memref<!tpu.dma_semaphore, #tpu.memory_space<semaphore_mem>>
        %dma_start3A = arith.constant 0 : i32
        %dma_start3A_44 = tpu.memref_slice %arg16[%mul3A_5, %dma_start3A] : memref<10000x8xf32, #tpu.memory_space<vmem_shared>> -> memref<520x8xf32, #tpu.memory_space<vmem_shared>>
        %dma_start3A_45 = arith.constant 0 : i32
        %dma_start3A_46 = tpu.memref_slice %arg7[%mul3A_5, %dma_start3A_45] : memref<10000x8xf32, #tpu.memory_space<hbm>> -> memref<520x8xf32, #tpu.memory_space<hbm>>
        tpu.enqueue_dma source(%dma_start3A_46 : memref<520x8xf32, #tpu.memory_space<hbm>>) target(%dma_start3A_44 : memref<520x8xf32, #tpu.memory_space<vmem_shared>>) target_semaphore(%run_scoped3A : memref<!tpu.dma_semaphore, #tpu.memory_space<semaphore_mem>>)
        %dma_wait3A = arith.constant 0 : i32
        %dma_wait3A_47 = tpu.memref_slice %arg16[%mul3A_5, %dma_wait3A] : memref<10000x8xf32, #tpu.memory_space<vmem_shared>> -> memref<520x8xf32, #tpu.memory_space<vmem_shared>>
        %dma_wait3A_48 = arith.constant 0 : i32
        %dma_wait3A_49 = tpu.memref_slice %arg7[%mul3A_5, %dma_wait3A_48] : memref<10000x8xf32, #tpu.memory_space<hbm>> -> memref<520x8xf32, #tpu.memory_space<hbm>>
        tpu.wait_dma2 semaphore(%run_scoped3A : memref<!tpu.dma_semaphore, #tpu.memory_space<semaphore_mem>>) src(%dma_wait3A_49 : memref<520x8xf32, #tpu.memory_space<hbm>>) dst(%dma_wait3A_47 : memref<520x8xf32, #tpu.memory_space<vmem_shared>>)
        tpu.yield
      }) : () -> ()
    } else {
    }
    %barrier3A = arith.constant 0 : index
    tpu.barrier barrier_id(%barrier3A)
    %shift_right_arithmetic3A = arith.constant 1 : i32
    %shift_right_arithmetic3A_12 = vector.broadcast %shift_right_arithmetic3A : i32 to vector<16xi32>
    %shift_right_arithmetic3A_13 = arith.shrsi %iota3A, %shift_right_arithmetic3A_12 : vector<16xi32>
    %and3A = arith.constant 1 : i32
    %and3A_14 = vector.broadcast %and3A : i32 to vector<16xi32>
    %and3A_15 = arith.andi %iota3A, %and3A_14 : vector<16xi32>
    %mul3A_16 = arith.constant 2 : i32
    %mul3A_17 = arith.muli %mul3A_16, %arg0 : i32
    %add3A = vector.broadcast %mul3A_17 : i32 to vector<16xi32>
    %add3A_18 = arith.addi %and3A_15, %add3A : vector<16xi32>
    %gather3A = tpu.vector_load_idx %arg14[%add3A_18] : memref<16xf32, #tpu.memory_space<vmem>>[vector<16xi32>], vector<16xf32>,
    %mul3A_19 = arith.constant 20000 : i32
    %mul3A_20 = arith.muli %arg1, %mul3A_19 : i32
    %mul3A_21 = arith.constant 0 : i32
    %mul3A_22 = vector.broadcast %mul3A_21 : i32 to vector<16xi32>
    %mul3A_23 = arith.muli %iota3A, %mul3A_22 : vector<16xi32>
    %add3A_24 = arith.constant 1 : i32
    %add3A_25 = vector.broadcast %add3A_24 : i32 to vector<16xi32>
    %add3A_26 = arith.addi %mul3A_23, %add3A_25 : vector<16xi32>
    %scan3A_27 = arith.constant 0 : i32
    %scan3A_28 = arith.constant 0 : i32
    %scan3A_29 = arith.constant 250 : i32
    %scan3A_30 = arith.addi %scan3A_28, %scan3A_29 : i32
    %scan3A_31 = arith.constant 1 : i32
    scf.for %scan3A_44 = %scan3A_28 to %scan3A_30 step %scan3A_31  : i32 {
      %mul3A_45 = arith.constant 80 : i32
      %mul3A_46 = arith.muli %scan3A_44, %mul3A_45 : i32
      %add3A_47 = arith.addi %mul3A_20, %mul3A_46 : i32
      "tpu.region"() ({
        %run_scoped3A_74 = tpu.sem_alloc : memref<!tpu.dma_semaphore, #tpu.memory_space<semaphore_mem>>
        %dma_start3A_75 = arith.constant 0 : i32
        %dma_start3A_76 = tpu.memref_slice %arg4[%dma_start3A_75, %add3A_47] : memref<2x320000xi32, #tpu.memory_space<hbm>> -> memref<2x80xi32, #tpu.memory_space<hbm>>
        %dma_start3A_77 = arith.constant 0 : i32
        %dma_start3A_78 = tpu.memref_slice %arg4[%dma_start3A_77, %add3A_47] : memref<2x320000xi32, #tpu.memory_space<hbm>> -> memref<2x80xi32, #tpu.memory_space<hbm>>
        tpu.enqueue_dma source(%dma_start3A_78 : memref<2x80xi32, #tpu.memory_space<hbm>>) target(%arg11 : memref<2x80xi32, #tpu.memory_space<vmem>>) target_semaphore(%run_scoped3A_74 : memref<!tpu.dma_semaphore, #tpu.memory_space<semaphore_mem>>)
        %dma_wait3A_79 = arith.constant 0 : i32
        %dma_wait3A_80 = tpu.memref_slice %arg4[%dma_wait3A_79, %add3A_47] : memref<2x320000xi32, #tpu.memory_space<hbm>> -> memref<2x80xi32, #tpu.memory_space<hbm>>
        %dma_wait3A_81 = arith.constant 0 : i32
        %dma_wait3A_82 = tpu.memref_slice %arg4[%dma_wait3A_81, %add3A_47] : memref<2x320000xi32, #tpu.memory_space<hbm>> -> memref<2x80xi32, #tpu.memory_space<hbm>>
        tpu.wait_dma2 semaphore(%run_scoped3A_74 : memref<!tpu.dma_semaphore, #tpu.memory_space<semaphore_mem>>) src(%dma_wait3A_82 : memref<2x80xi32, #tpu.memory_space<hbm>>) dst(%arg11 : memref<2x80xi32, #tpu.memory_space<vmem>>)
        tpu.yield
      }) : () -> ()
      %dma_start3A = arith.constant 0 : i32
      %dma_start3A_48 = arith.constant 0 : i32
      %dma_start3A_49 = tpu.memref_slice %arg11[%dma_start3A, %dma_start3A_48] : memref<2x80xi32, #tpu.memory_space<vmem>> -> memref<1x80xi32, #tpu.memory_space<vmem>>
      %dma_start3A_50 = tpu.memref_squeeze %dma_start3A_49 : memref<1x80xi32, #tpu.memory_space<vmem>> -> memref<80xi32, #tpu.memory_space<vmem>>
      %dma_start3A_51 = arith.constant 0 : i32
      %dma_start3A_52 = arith.constant 0 : i32
      %dma_start3A_53 = tpu.memref_slice %arg2[%arg0, %dma_start3A_51, %dma_start3A_52] : memref<2x10000x64xf32, #tpu.memory_space<hbm>> -> memref<1x10000x64xf32, #tpu.memory_space<hbm>>
      %dma_start3A_54 = tpu.memref_squeeze %dma_start3A_53 : memref<1x10000x64xf32, #tpu.memory_space<hbm>> -> memref<10000x64xf32, #tpu.memory_space<hbm>>
      %dma_start3A_55 = arith.constant 0 : i32
      %dma_start3A_56 = arith.constant 0 : i32
      %dma_start3A_57 = tpu.memref_slice %dma_start3A_54[%dma_start3A_55, %dma_start3A_56] : memref<10000x64xf32, #tpu.memory_space<hbm>> -> memref<10000x64xf32, #tpu.memory_space<hbm>>
      tpu.enqueue_indirect_dma source(%dma_start3A_57 : memref<10000x64xf32, #tpu.memory_space<hbm>>) target(%arg12 : memref<80x64xf32, #tpu.memory_space<vmem>>) offsets(%dma_start3A_50 : memref<80xi32, #tpu.memory_space<vmem>>) semaphore(%arg17 : memref<!tpu.dma_semaphore, #tpu.memory_space<semaphore_mem>>)
      %dma_wait3A = arith.constant 0 : i32
      %dma_wait3A_58 = arith.constant 0 : i32
      %dma_wait3A_59 = tpu.memref_slice %arg11[%dma_wait3A, %dma_wait3A_58] : memref<2x80xi32, #tpu.memory_space<vmem>> -> memref<1x80xi32, #tpu.memory_space<vmem>>
      %dma_wait3A_60 = tpu.memref_squeeze %dma_wait3A_59 : memref<1x80xi32, #tpu.memory_space<vmem>> -> memref<80xi32, #tpu.memory_space<vmem>>
      %dma_wait3A_61 = arith.constant 0 : i32
      %dma_wait3A_62 = arith.constant 0 : i32
      %dma_wait3A_63 = tpu.memref_slice %arg2[%arg0, %dma_wait3A_61, %dma_wait3A_62] : memref<2x10000x64xf32, #tpu.memory_space<hbm>> -> memref<1x10000x64xf32, #tpu.memory_space<hbm>>
      %dma_wait3A_64 = tpu.memref_squeeze %dma_wait3A_63 : memref<1x10000x64xf32, #tpu.memory_space<hbm>> -> memref<10000x64xf32, #tpu.memory_space<hbm>>
      %dma_wait3A_65 = arith.constant 0 : i32
      %dma_wait3A_66 = arith.constant 0 : i32
      %dma_wait3A_67 = tpu.memref_slice %dma_wait3A_64[%dma_wait3A_65, %dma_wait3A_66] : memref<10000x64xf32, #tpu.memory_space<hbm>> -> memref<10000x64xf32, #tpu.memory_space<hbm>>
      tpu.wait_indirect_dma semaphore(%arg17 : memref<!tpu.dma_semaphore, #tpu.memory_space<semaphore_mem>>) src(%dma_wait3A_67 : memref<10000x64xf32, #tpu.memory_space<hbm>>) dst(%arg12 : memref<80x64xf32, #tpu.memory_space<vmem>>)
      %parallel_loop3A = arith.constant 0 : i32
      %parallel_loop3A_68 = arith.constant 10 : i32
      %parallel_loop3A_69 = arith.constant 1 : i32
      scf.for %parallel_loop3A_74 = %parallel_loop3A to %parallel_loop3A_68 step %parallel_loop3A_69  : i32 {
        %parallel_loop3A_75 = arith.constant 8 : i32
        %parallel_loop3A_76 = arith.muli %parallel_loop3A_75, %parallel_loop3A_74 : i32
        %parallel_loop3A_77 = vector.broadcast %parallel_loop3A_76 : i32 to vector<16xi32>
        %parallel_loop3A_78 = arith.addi %shift_right_arithmetic3A_13, %parallel_loop3A_77 : vector<16xi32>
        %parallel_loop3A_79 = tpu.vector_load_idx %arg11[%mul3A_23, %parallel_loop3A_78] : memref<2x80xi32, #tpu.memory_space<vmem>>[vector<16xi32>, vector<16xi32>], vector<16xi32>,
        %parallel_loop3A_80 = tpu.vector_load_idx %arg11[%add3A_26, %parallel_loop3A_78] : memref<2x80xi32, #tpu.memory_space<vmem>>[vector<16xi32>, vector<16xi32>], vector<16xi32>,
        %parallel_loop3A_81 = tpu.vector_load_idx %arg10[%parallel_loop3A_79, %add3A_18] : memref<10000x8xf32, #tpu.memory_space<vmem>>[vector<16xi32>, vector<16xi32>], vector<16xf32>,
        %parallel_loop3A_82 = arith.constant 4 : i32
        %parallel_loop3A_83 = vector.broadcast %parallel_loop3A_82 : i32 to vector<16xi32>
        %parallel_loop3A_84 = arith.addi %add3A_18, %parallel_loop3A_83 : vector<16xi32>
        %parallel_loop3A_85 = tpu.vector_load_idx %arg10[%parallel_loop3A_80, %parallel_loop3A_84] : memref<10000x8xf32, #tpu.memory_space<vmem>>[vector<16xi32>, vector<16xi32>], vector<16xf32>,
        %parallel_loop3A_86 = arith.addf %parallel_loop3A_81, %parallel_loop3A_85 : vector<16xf32>
        %parallel_loop3A_87 = arith.constant 0.000000e+00 : f32
        %parallel_loop3A_88 = vector.broadcast %parallel_loop3A_87 : f32 to vector<16xf32>
        %parallel_loop3A_89 = arith.cmpf oge, %parallel_loop3A_86, %parallel_loop3A_88 : vector<16xf32>
        %parallel_loop3A_90 = arith.constant 2.000000e-01 : f32
        %parallel_loop3A_91 = vector.broadcast %parallel_loop3A_90 : f32 to vector<16xf32>
        %parallel_loop3A_92 = arith.mulf %parallel_loop3A_86, %parallel_loop3A_91 : vector<16xf32>
        %parallel_loop3A_93 = arith.select %parallel_loop3A_89, %parallel_loop3A_86, %parallel_loop3A_92 : vector<16xi1>, vector<16xf32>
        %parallel_loop3A_94 = arith.subf %parallel_loop3A_93, %gather3A : vector<16xf32>
        %parallel_loop3A_95 = math.exp %parallel_loop3A_94 : vector<16xf32>
        tpu.vector_store_idx %arg13[%parallel_loop3A_78, %and3A_15], %parallel_loop3A_95 : memref<80x8xf32, #tpu.memory_space<vmem>>[vector<16xi32>, vector<16xi32>], vector<16xf32>,
      } {sc.loop_unroll_factor = 2 : i64, sc.parallel_access}
      %parallel_loop3A_70 = arith.constant 0 : i32
      %parallel_loop3A_71 = arith.constant 80 : i32
      %parallel_loop3A_72 = arith.constant 1 : i32
      scf.for %parallel_loop3A_74 = %parallel_loop3A_70 to %parallel_loop3A_71 step %parallel_loop3A_72  : i32 {
        %parallel_loop3A_75 = vector.broadcast %parallel_loop3A_74 : i32 to vector<16xi32>
        %parallel_loop3A_76 = arith.constant 0 : i32
        %parallel_loop3A_77 = vector.broadcast %parallel_loop3A_76 : i32 to vector<16xi32>
        %parallel_loop3A_78 = tpu.vector_load_idx %arg13[%parallel_loop3A_75, %parallel_loop3A_77] : memref<80x8xf32, #tpu.memory_space<vmem>>[vector<16xi32>, vector<16xi32>], vector<16xf32>,
        %parallel_loop3A_79 = arith.index_cast %parallel_loop3A_74 : i32 to index
        %parallel_loop3A_80 = arith.constant 0 : index
        %parallel_loop3A_81 = tpu.vector_load %arg12[%parallel_loop3A_79, %parallel_loop3A_80] {strides = array<i32>} : memref<80x64xf32, #tpu.memory_space<vmem>>, vector<16xf32>,
        %parallel_loop3A_82 = arith.mulf %parallel_loop3A_81, %parallel_loop3A_78 : vector<16xf32>
        %parallel_loop3A_83 = arith.index_cast %parallel_loop3A_74 : i32 to index
        %parallel_loop3A_84 = arith.constant 0 : index
        %parallel_loop3A_85 = tpu.vector_load %arg12[%parallel_loop3A_83, %parallel_loop3A_84] {strides = array<i32>} : memref<80x64xf32, #tpu.memory_space<vmem>>, vector<16xf32>,
        tpu.vector_store %arg12[%parallel_loop3A_83, %parallel_loop3A_84], %parallel_loop3A_82 {strides = array<i32>} : memref<80x64xf32, #tpu.memory_space<vmem>>, vector<16xf32>,
        %parallel_loop3A_86 = arith.index_cast %parallel_loop3A_74 : i32 to index
        %parallel_loop3A_87 = arith.constant 16 : index
        %parallel_loop3A_88 = tpu.vector_load %arg12[%parallel_loop3A_86, %parallel_loop3A_87] {strides = array<i32>} : memref<80x64xf32, #tpu.memory_space<vmem>>, vector<16xf32>,
        %parallel_loop3A_89 = arith.mulf %parallel_loop3A_88, %parallel_loop3A_78 : vector<16xf32>
        %parallel_loop3A_90 = arith.index_cast %parallel_loop3A_74 : i32 to index
        %parallel_loop3A_91 = arith.constant 16 : index
        %parallel_loop3A_92 = tpu.vector_load %arg12[%parallel_loop3A_90, %parallel_loop3A_91] {strides = array<i32>} : memref<80x64xf32, #tpu.memory_space<vmem>>, vector<16xf32>,
        tpu.vector_store %arg12[%parallel_loop3A_90, %parallel_loop3A_91], %parallel_loop3A_89 {strides = array<i32>} : memref<80x64xf32, #tpu.memory_space<vmem>>, vector<16xf32>,
        %parallel_loop3A_93 = vector.broadcast %parallel_loop3A_74 : i32 to vector<16xi32>
        %parallel_loop3A_94 = arith.constant 1 : i32
        %parallel_loop3A_95 = vector.broadcast %parallel_loop3A_94 : i32 to vector<16xi32>
        %parallel_loop3A_96 = tpu.vector_load_idx %arg13[%parallel_loop3A_93, %parallel_loop3A_95] : memref<80x8xf32, #tpu.memory_space<vmem>>[vector<16xi32>, vector<16xi32>], vector<16xf32>,
        %parallel_loop3A_97 = arith.index_cast %parallel_loop3A_74 : i32 to index
        %parallel_loop3A_98 = arith.constant 32 : index
        %parallel_loop3A_99 = tpu.vector_load %arg12[%parallel_loop3A_97, %parallel_loop3A_98] {strides = array<i32>} : memref<80x64xf32, #tpu.memory_space<vmem>>, vector<16xf32>,
        %parallel_loop3A_100 = arith.mulf %parallel_loop3A_99, %parallel_loop3A_96 : vector<16xf32>
        %parallel_loop3A_101 = arith.index_cast %parallel_loop3A_74 : i32 to index
        %parallel_loop3A_102 = arith.constant 32 : index
        %parallel_loop3A_103 = tpu.vector_load %arg12[%parallel_loop3A_101, %parallel_loop3A_102] {strides = array<i32>} : memref<80x64xf32, #tpu.memory_space<vmem>>, vector<16xf32>,
        tpu.vector_store %arg12[%parallel_loop3A_101, %parallel_loop3A_102], %parallel_loop3A_100 {strides = array<i32>} : memref<80x64xf32, #tpu.memory_space<vmem>>, vector<16xf32>,
        %parallel_loop3A_104 = arith.index_cast %parallel_loop3A_74 : i32 to index
        %parallel_loop3A_105 = arith.constant 48 : index
        %parallel_loop3A_106 = tpu.vector_load %arg12[%parallel_loop3A_104, %parallel_loop3A_105] {strides = array<i32>} : memref<80x64xf32, #tpu.memory_space<vmem>>, vector<16xf32>,
        %parallel_loop3A_107 = arith.mulf %parallel_loop3A_106, %parallel_loop3A_96 : vector<16xf32>
        %parallel_loop3A_108 = arith.index_cast %parallel_loop3A_74 : i32 to index
        %parallel_loop3A_109 = arith.constant 48 : index
        %parallel_loop3A_110 = tpu.vector_load %arg12[%parallel_loop3A_108, %parallel_loop3A_109] {strides = array<i32>} : memref<80x64xf32, #tpu.memory_space<vmem>>, vector<16xf32>,
        tpu.vector_store %arg12[%parallel_loop3A_108, %parallel_loop3A_109], %parallel_loop3A_107 {strides = array<i32>} : memref<80x64xf32, #tpu.memory_space<vmem>>, vector<16xf32>,
      } {sc.loop_unroll_factor = 4 : i64, sc.parallel_access}
      %run_scoped3A = arith.constant 1 : i32
      "tpu.region"() ({
        %run_scoped3A_74 = tpu.sem_alloc : memref<!tpu.dma_semaphore, #tpu.memory_space<semaphore_mem>>
        %dma_start3A_75 = arith.constant 0 : i32
        %dma_start3A_76 = tpu.memref_slice %arg11[%run_scoped3A, %dma_start3A_75] : memref<2x80xi32, #tpu.memory_space<vmem>> -> memref<1x80xi32, #tpu.memory_space<vmem>>
        %dma_start3A_77 = tpu.memref_squeeze %dma_start3A_76 : memref<1x80xi32, #tpu.memory_space<vmem>> -> memref<80xi32, #tpu.memory_space<vmem>>
        %dma_start3A_78 = arith.constant 0 : i32
        %dma_start3A_79 = arith.constant 0 : i32
        %dma_start3A_80 = tpu.memref_slice %arg15[%dma_start3A_78, %dma_start3A_79] : memref<10000x64xf32, #tpu.memory_space<vmem_shared>> -> memref<10000x64xf32, #tpu.memory_space<vmem_shared>>
        tpu.enqueue_indirect_dma source(%arg12 : memref<80x64xf32, #tpu.memory_space<vmem>>) target(%dma_start3A_80 : memref<10000x64xf32, #tpu.memory_space<vmem_shared>>) offsets(%dma_start3A_77 : memref<80xi32, #tpu.memory_space<vmem>>) semaphore(%run_scoped3A_74 : memref<!tpu.dma_semaphore, #tpu.memory_space<semaphore_mem>>) {add = true}
        %dma_wait3A_81 = arith.constant 0 : i32
        %dma_wait3A_82 = tpu.memref_slice %arg11[%run_scoped3A, %dma_wait3A_81] : memref<2x80xi32, #tpu.memory_space<vmem>> -> memref<1x80xi32, #tpu.memory_space<vmem>>
        %dma_wait3A_83 = tpu.memref_squeeze %dma_wait3A_82 : memref<1x80xi32, #tpu.memory_space<vmem>> -> memref<80xi32, #tpu.memory_space<vmem>>
        %dma_wait3A_84 = arith.constant 0 : i32
        %dma_wait3A_85 = arith.constant 0 : i32
        %dma_wait3A_86 = tpu.memref_slice %arg15[%dma_wait3A_84, %dma_wait3A_85] : memref<10000x64xf32, #tpu.memory_space<vmem_shared>> -> memref<10000x64xf32, #tpu.memory_space<vmem_shared>>
        tpu.wait_indirect_dma semaphore(%run_scoped3A_74 : memref<!tpu.dma_semaphore, #tpu.memory_space<semaphore_mem>>) src(%arg12 : memref<80x64xf32, #tpu.memory_space<vmem>>) dst(%dma_wait3A_86 : memref<10000x64xf32, #tpu.memory_space<vmem_shared>>)
        tpu.yield
      }) : () -> ()
      %run_scoped3A_73 = arith.constant 1 : i32
      "tpu.region"() ({
        %run_scoped3A_74 = tpu.sem_alloc : memref<!tpu.dma_semaphore, #tpu.memory_space<semaphore_mem>>
        %dma_start3A_75 = arith.constant 0 : i32
        %dma_start3A_76 = tpu.memref_slice %arg11[%run_scoped3A_73, %dma_start3A_75] : memref<2x80xi32, #tpu.memory_space<vmem>> -> memref<1x80xi32, #tpu.memory_space<vmem>>
        %dma_start3A_77 = tpu.memref_squeeze %dma_start3A_76 : memref<1x80xi32, #tpu.memory_space<vmem>> -> memref<80xi32, #tpu.memory_space<vmem>>
        %dma_start3A_78 = arith.constant 0 : i32
        %dma_start3A_79 = arith.constant 0 : i32
        %dma_start3A_80 = tpu.memref_slice %arg16[%dma_start3A_78, %dma_start3A_79] : memref<10000x8xf32, #tpu.memory_space<vmem_shared>> -> memref<10000x8xf32, #tpu.memory_space<vmem_shared>>
        tpu.enqueue_indirect_dma source(%arg13 : memref<80x8xf32, #tpu.memory_space<vmem>>) target(%dma_start3A_80 : memref<10000x8xf32, #tpu.memory_space<vmem_shared>>) offsets(%dma_start3A_77 : memref<80xi32, #tpu.memory_space<vmem>>) semaphore(%run_scoped3A_74 : memref<!tpu.dma_semaphore, #tpu.memory_space<semaphore_mem>>) {add = true}
        %dma_wait3A_81 = arith.constant 0 : i32
        %dma_wait3A_82 = tpu.memref_slice %arg11[%run_scoped3A_73, %dma_wait3A_81] : memref<2x80xi32, #tpu.memory_space<vmem>> -> memref<1x80xi32, #tpu.memory_space<vmem>>
        %dma_wait3A_83 = tpu.memref_squeeze %dma_wait3A_82 : memref<1x80xi32, #tpu.memory_space<vmem>> -> memref<80xi32, #tpu.memory_space<vmem>>
        %dma_wait3A_84 = arith.constant 0 : i32
        %dma_wait3A_85 = arith.constant 0 : i32
        %dma_wait3A_86 = tpu.memref_slice %arg16[%dma_wait3A_84, %dma_wait3A_85] : memref<10000x8xf32, #tpu.memory_space<vmem_shared>> -> memref<10000x8xf32, #tpu.memory_space<vmem_shared>>
        tpu.wait_indirect_dma semaphore(%run_scoped3A_74 : memref<!tpu.dma_semaphore, #tpu.memory_space<semaphore_mem>>) src(%arg13 : memref<80x8xf32, #tpu.memory_space<vmem>>) dst(%dma_wait3A_86 : memref<10000x8xf32, #tpu.memory_space<vmem_shared>>)
        tpu.yield
      }) : () -> ()
    }
    %scan3A_32 = arith.constant 250 : i32
    %barrier3A_33 = arith.constant 0 : index
    tpu.barrier barrier_id(%barrier3A_33)
    %lt3A_34 = arith.constant 15 : i32
    %lt3A_35 = arith.cmpi slt, %arg1, %lt3A_34 : i32
    %convert_element_type3A_36 = arith.extui %lt3A_35 : i1 to i32
    %cond3A_37 = arith.constant 0 : i32
    %cond3A_38 = arith.cmpi ne, %convert_element_type3A_36, %cond3A_37 : i32
    scf.if %cond3A_38 {
      "tpu.region"() ({
        %run_scoped3A = tpu.sem_alloc : memref<!tpu.dma_semaphore, #tpu.memory_space<semaphore_mem>>
        %dma_start3A = arith.constant 0 : i32
        %dma_start3A_44 = tpu.memref_slice %arg8[%arg0, %mul3A_5, %dma_start3A] : memref<2x10000x64xf32, #tpu.memory_space<hbm>> -> memref<1x632x64xf32, #tpu.memory_space<hbm>>
        %dma_start3A_45 = tpu.memref_squeeze %dma_start3A_44 : memref<1x632x64xf32, #tpu.memory_space<hbm>> -> memref<632x64xf32, #tpu.memory_space<hbm>>
        %dma_start3A_46 = arith.constant 0 : i32
        %dma_start3A_47 = tpu.memref_slice %arg15[%mul3A_5, %dma_start3A_46] : memref<10000x64xf32, #tpu.memory_space<vmem_shared>> -> memref<632x64xf32, #tpu.memory_space<vmem_shared>>
        tpu.enqueue_dma source(%dma_start3A_47 : memref<632x64xf32, #tpu.memory_space<vmem_shared>>) target(%dma_start3A_45 : memref<632x64xf32, #tpu.memory_space<hbm>>) target_semaphore(%run_scoped3A : memref<!tpu.dma_semaphore, #tpu.memory_space<semaphore_mem>>)
        %dma_wait3A = arith.constant 0 : i32
        %dma_wait3A_48 = tpu.memref_slice %arg8[%arg0, %mul3A_5, %dma_wait3A] : memref<2x10000x64xf32, #tpu.memory_space<hbm>> -> memref<1x632x64xf32, #tpu.memory_space<hbm>>
        %dma_wait3A_49 = tpu.memref_squeeze %dma_wait3A_48 : memref<1x632x64xf32, #tpu.memory_space<hbm>> -> memref<632x64xf32, #tpu.memory_space<hbm>>
        %dma_wait3A_50 = arith.constant 0 : i32
        %dma_wait3A_51 = tpu.memref_slice %arg15[%mul3A_5, %dma_wait3A_50] : memref<10000x64xf32, #tpu.memory_space<vmem_shared>> -> memref<632x64xf32, #tpu.memory_space<vmem_shared>>
        tpu.wait_dma2 semaphore(%run_scoped3A : memref<!tpu.dma_semaphore, #tpu.memory_space<semaphore_mem>>) src(%dma_wait3A_51 : memref<632x64xf32, #tpu.memory_space<vmem_shared>>) dst(%dma_wait3A_49 : memref<632x64xf32, #tpu.memory_space<hbm>>)
        tpu.yield
      }) : () -> ()
      "tpu.region"() ({
        %run_scoped3A = tpu.sem_alloc : memref<!tpu.dma_semaphore, #tpu.memory_space<semaphore_mem>>
        %dma_start3A = arith.constant 0 : i32
        %dma_start3A_44 = tpu.memref_slice %arg9[%arg0, %mul3A_5, %dma_start3A] : memref<2x10000x8xf32, #tpu.memory_space<hbm>> -> memref<1x632x8xf32, #tpu.memory_space<hbm>>
        %dma_start3A_45 = tpu.memref_squeeze %dma_start3A_44 : memref<1x632x8xf32, #tpu.memory_space<hbm>> -> memref<632x8xf32, #tpu.memory_space<hbm>>
        %dma_start3A_46 = arith.constant 0 : i32
        %dma_start3A_47 = tpu.memref_slice %arg16[%mul3A_5, %dma_start3A_46] : memref<10000x8xf32, #tpu.memory_space<vmem_shared>> -> memref<632x8xf32, #tpu.memory_space<vmem_shared>>
        tpu.enqueue_dma source(%dma_start3A_47 : memref<632x8xf32, #tpu.memory_space<vmem_shared>>) target(%dma_start3A_45 : memref<632x8xf32, #tpu.memory_space<hbm>>) target_semaphore(%run_scoped3A : memref<!tpu.dma_semaphore, #tpu.memory_space<semaphore_mem>>)
        %dma_wait3A = arith.constant 0 : i32
        %dma_wait3A_48 = tpu.memref_slice %arg9[%arg0, %mul3A_5, %dma_wait3A] : memref<2x10000x8xf32, #tpu.memory_space<hbm>> -> memref<1x632x8xf32, #tpu.memory_space<hbm>>
        %dma_wait3A_49 = tpu.memref_squeeze %dma_wait3A_48 : memref<1x632x8xf32, #tpu.memory_space<hbm>> -> memref<632x8xf32, #tpu.memory_space<hbm>>
        %dma_wait3A_50 = arith.constant 0 : i32
        %dma_wait3A_51 = tpu.memref_slice %arg16[%mul3A_5, %dma_wait3A_50] : memref<10000x8xf32, #tpu.memory_space<vmem_shared>> -> memref<632x8xf32, #tpu.memory_space<vmem_shared>>
        tpu.wait_dma2 semaphore(%run_scoped3A : memref<!tpu.dma_semaphore, #tpu.memory_space<semaphore_mem>>) src(%dma_wait3A_51 : memref<632x8xf32, #tpu.memory_space<vmem_shared>>) dst(%dma_wait3A_49 : memref<632x8xf32, #tpu.memory_space<hbm>>)
        tpu.yield
      }) : () -> ()
    } else {
    }
    %eq3A_39 = arith.constant 15 : i32
    %eq3A_40 = arith.cmpi eq, %arg1, %eq3A_39 : i32
    %convert_element_type3A_41 = arith.extui %eq3A_40 : i1 to i32
    %cond3A_42 = arith.constant 0 : i32
    %cond3A_43 = arith.cmpi ne, %convert_element_type3A_41, %cond3A_42 : i32
    scf.if %cond3A_43 {
      "tpu.region"() ({
        %run_scoped3A = tpu.sem_alloc : memref<!tpu.dma_semaphore, #tpu.memory_space<semaphore_mem>>
        %dma_start3A = arith.constant 0 : i32
        %dma_start3A_44 = tpu.memref_slice %arg8[%arg0, %mul3A_5, %dma_start3A] : memref<2x10000x64xf32, #tpu.memory_space<hbm>> -> memref<1x520x64xf32, #tpu.memory_space<hbm>>
        %dma_start3A_45 = tpu.memref_squeeze %dma_start3A_44 : memref<1x520x64xf32, #tpu.memory_space<hbm>> -> memref<520x64xf32, #tpu.memory_space<hbm>>
        %dma_start3A_46 = arith.constant 0 : i32
        %dma_start3A_47 = tpu.memref_slice %arg15[%mul3A_5, %dma_start3A_46] : memref<10000x64xf32, #tpu.memory_space<vmem_shared>> -> memref<520x64xf32, #tpu.memory_space<vmem_shared>>
        tpu.enqueue_dma source(%dma_start3A_47 : memref<520x64xf32, #tpu.memory_space<vmem_shared>>) target(%dma_start3A_45 : memref<520x64xf32, #tpu.memory_space<hbm>>) target_semaphore(%run_scoped3A : memref<!tpu.dma_semaphore, #tpu.memory_space<semaphore_mem>>)
        %dma_wait3A = arith.constant 0 : i32
        %dma_wait3A_48 = tpu.memref_slice %arg8[%arg0, %mul3A_5, %dma_wait3A] : memref<2x10000x64xf32, #tpu.memory_space<hbm>> -> memref<1x520x64xf32, #tpu.memory_space<hbm>>
        %dma_wait3A_49 = tpu.memref_squeeze %dma_wait3A_48 : memref<1x520x64xf32, #tpu.memory_space<hbm>> -> memref<520x64xf32, #tpu.memory_space<hbm>>
        %dma_wait3A_50 = arith.constant 0 : i32
        %dma_wait3A_51 = tpu.memref_slice %arg15[%mul3A_5, %dma_wait3A_50] : memref<10000x64xf32, #tpu.memory_space<vmem_shared>> -> memref<520x64xf32, #tpu.memory_space<vmem_shared>>
        tpu.wait_dma2 semaphore(%run_scoped3A : memref<!tpu.dma_semaphore, #tpu.memory_space<semaphore_mem>>) src(%dma_wait3A_51 : memref<520x64xf32, #tpu.memory_space<vmem_shared>>) dst(%dma_wait3A_49 : memref<520x64xf32, #tpu.memory_space<hbm>>)
        tpu.yield
      }) : () -> ()
      "tpu.region"() ({
        %run_scoped3A = tpu.sem_alloc : memref<!tpu.dma_semaphore, #tpu.memory_space<semaphore_mem>>
        %dma_start3A = arith.constant 0 : i32
        %dma_start3A_44 = tpu.memref_slice %arg9[%arg0, %mul3A_5, %dma_start3A] : memref<2x10000x8xf32, #tpu.memory_space<hbm>> -> memref<1x520x8xf32, #tpu.memory_space<hbm>>
        %dma_start3A_45 = tpu.memref_squeeze %dma_start3A_44 : memref<1x520x8xf32, #tpu.memory_space<hbm>> -> memref<520x8xf32, #tpu.memory_space<hbm>>
        %dma_start3A_46 = arith.constant 0 : i32
        %dma_start3A_47 = tpu.memref_slice %arg16[%mul3A_5, %dma_start3A_46] : memref<10000x8xf32, #tpu.memory_space<vmem_shared>> -> memref<520x8xf32, #tpu.memory_space<vmem_shared>>
        tpu.enqueue_dma source(%dma_start3A_47 : memref<520x8xf32, #tpu.memory_space<vmem_shared>>) target(%dma_start3A_45 : memref<520x8xf32, #tpu.memory_space<hbm>>) target_semaphore(%run_scoped3A : memref<!tpu.dma_semaphore, #tpu.memory_space<semaphore_mem>>)
        %dma_wait3A = arith.constant 0 : i32
        %dma_wait3A_48 = tpu.memref_slice %arg9[%arg0, %mul3A_5, %dma_wait3A] : memref<2x10000x8xf32, #tpu.memory_space<hbm>> -> memref<1x520x8xf32, #tpu.memory_space<hbm>>
        %dma_wait3A_49 = tpu.memref_squeeze %dma_wait3A_48 : memref<1x520x8xf32, #tpu.memory_space<hbm>> -> memref<520x8xf32, #tpu.memory_space<hbm>>
        %dma_wait3A_50 = arith.constant 0 : i32
        %dma_wait3A_51 = tpu.memref_slice %arg16[%mul3A_5, %dma_wait3A_50] : memref<10000x8xf32, #tpu.memory_space<vmem_shared>> -> memref<520x8xf32, #tpu.memory_space<vmem_shared>>
        tpu.wait_dma2 semaphore(%run_scoped3A : memref<!tpu.dma_semaphore, #tpu.memory_space<semaphore_mem>>) src(%dma_wait3A_51 : memref<520x8xf32, #tpu.memory_space<vmem_shared>>) dst(%dma_wait3A_49 : memref<520x8xf32, #tpu.memory_space<hbm>>)
        tpu.yield
      }) : () -> ()
    } else {
    }
    return
  }
}

module attributes {stable_mosaic.version = 14 : i64} {
  func.func @_proj_body(%arg0: i32, %arg1: memref<1000x128xf32, #tpu.memory_space<vmem>>, %arg2: memref<128x128xf32, #tpu.memory_space<vmem>>, %arg3: memref<4x32xf32, #tpu.memory_space<vmem>>, %arg4: memref<4x32xf32, #tpu.memory_space<vmem>>, %arg5: memref<2x1000x64xf32, #tpu.memory_space<vmem>>, %arg6: memref<1000x8xf32, #tpu.memory_space<vmem>>) attributes {dimension_semantics = [#tpu.dimension_semantics<arbitrary>], iteration_bounds = array<i64: 10>, scalar_prefetch = 0 : i64, scratch_operands = 0 : i64, tpu.core_type = #tpu.core_type<tc>, window_params = [{transform_indices = @transform_0, window_bounds = array<i64: 1000, 128>}, {pipeline_mode = #tpu.pipeline_mode<synchronous>, transform_indices = @transform_1, window_bounds = array<i64: 128, 128>}, {pipeline_mode = #tpu.pipeline_mode<synchronous>, transform_indices = @transform_2, window_bounds = array<i64: 4, 32>}, {pipeline_mode = #tpu.pipeline_mode<synchronous>, transform_indices = @transform_3, window_bounds = array<i64: 4, 32>}, {transform_indices = @transform_4, window_bounds = array<i64: 2, 1000, 64>}, {transform_indices = @transform_5, window_bounds = array<i64: 1000, 8>}]} {
    %get3A = arith.constant 0 : index
    %get3A_0 = arith.constant 0 : index
    %get3A_1 = vector.load %arg1[%get3A, %get3A_0] : memref<1000x128xf32, #tpu.memory_space<vmem>>, vector<1000x128xf32>
    %get3A_2 = arith.constant 0 : index
    %get3A_3 = arith.constant 0 : index
    %get3A_4 = vector.load %arg2[%get3A_2, %get3A_3] : memref<128x128xf32, #tpu.memory_space<vmem>>, vector<128x128xf32>
    %dot_general3A = arith.constant dense<0.000000e+00> : vector<1000x128xf32>
    %dot_general3A_5 = tpu.matmul %get3A_1, %get3A_4, %dot_general3A {dimension_numbers = #tpu.dot_dimension_numbers<[1], [0], [0], [1], [0, 0, 1, 1], [], []>, transpose_lhs_hint = false} : vector<1000x128xf32>, vector<128x128xf32>, vector<1000x128xf32> -> vector<1000x128xf32>
    %slice3A = vector.extract_strided_slice %dot_general3A_5 {offsets = [0, 0], sizes = [1000, 64], strides = [1, 1]} : vector<1000x128xf32> to vector<1000x64xf32>
    %swap3A = arith.constant 0 : index
    %swap3A_6 = arith.constant 0 : index
    %swap3A_7 = arith.constant 0 : index
    %swap3A_8 = vector.load %arg5[%swap3A, %swap3A_6, %swap3A_7] : memref<2x1000x64xf32, #tpu.memory_space<vmem>>, vector<1x1000x64xf32>
    %swap3A_9 = vector.shape_cast %swap3A_8 : vector<1x1000x64xf32> to vector<1000x64xf32>
    %swap3A_10 = vector.shape_cast %slice3A : vector<1000x64xf32> to vector<1x1000x64xf32>
    tpu.vector_store %arg5[%swap3A, %swap3A_6, %swap3A_7], %swap3A_10 {strides = array<i32>} : memref<2x1000x64xf32, #tpu.memory_space<vmem>>, vector<1x1000x64xf32>,
    %slice3A_11 = vector.extract_strided_slice %dot_general3A_5 {offsets = [0, 64], sizes = [1000, 64], strides = [1, 1]} : vector<1000x128xf32> to vector<1000x64xf32>
    %swap3A_12 = arith.constant 1 : index
    %swap3A_13 = arith.constant 0 : index
    %swap3A_14 = arith.constant 0 : index
    %swap3A_15 = vector.load %arg5[%swap3A_12, %swap3A_13, %swap3A_14] : memref<2x1000x64xf32, #tpu.memory_space<vmem>>, vector<1x1000x64xf32>
    %swap3A_16 = vector.shape_cast %swap3A_15 : vector<1x1000x64xf32> to vector<1000x64xf32>
    %swap3A_17 = vector.shape_cast %slice3A_11 : vector<1000x64xf32> to vector<1x1000x64xf32>
    tpu.vector_store %arg5[%swap3A_12, %swap3A_13, %swap3A_14], %swap3A_17 {strides = array<i32>} : memref<2x1000x64xf32, #tpu.memory_space<vmem>>, vector<1x1000x64xf32>,
    %slice3A_18 = vector.extract_strided_slice %dot_general3A_5 {offsets = [0, 0], sizes = [1000, 32], strides = [1, 1]} : vector<1000x128xf32> to vector<1000x32xf32>
    %get3A_19 = arith.constant 0 : index
    %get3A_20 = arith.constant 0 : index
    %get3A_21 = vector.load %arg3[%get3A_19, %get3A_20] : memref<4x32xf32, #tpu.memory_space<vmem>>, vector<1x32xf32>
    %mul3A = vector.broadcast %get3A_21 : vector<1x32xf32> to vector<1000x32xf32>
    %mul3A_22 = arith.mulf %slice3A_18, %mul3A : vector<1000x32xf32>
    %reduce_sum3A = arith.constant dense<0.000000e+00> : vector<1000xf32>
    %reduce_sum3A_23 = vector.multi_reduction <add>, %mul3A_22, %reduce_sum3A [1] : vector<1000x32xf32> to vector<1000xf32>
    %broadcast_in_dim3A = vector.shape_cast %reduce_sum3A_23 : vector<1000xf32> to vector<1000x1xf32>
    %slice3A_24 = vector.extract_strided_slice %dot_general3A_5 {offsets = [0, 32], sizes = [1000, 32], strides = [1, 1]} : vector<1000x128xf32> to vector<1000x32xf32>
    %get3A_25 = arith.constant 1 : index
    %get3A_26 = arith.constant 0 : index
    %get3A_27 = vector.load %arg3[%get3A_25, %get3A_26] : memref<4x32xf32, #tpu.memory_space<vmem>>, vector<1x32xf32>
    %mul3A_28 = vector.broadcast %get3A_27 : vector<1x32xf32> to vector<1000x32xf32>
    %mul3A_29 = arith.mulf %slice3A_24, %mul3A_28 : vector<1000x32xf32>
    %reduce_sum3A_30 = arith.constant dense<0.000000e+00> : vector<1000xf32>
    %reduce_sum3A_31 = vector.multi_reduction <add>, %mul3A_29, %reduce_sum3A_30 [1] : vector<1000x32xf32> to vector<1000xf32>
    %broadcast_in_dim3A_32 = vector.shape_cast %reduce_sum3A_31 : vector<1000xf32> to vector<1000x1xf32>
    %slice3A_33 = vector.extract_strided_slice %dot_general3A_5 {offsets = [0, 64], sizes = [1000, 32], strides = [1, 1]} : vector<1000x128xf32> to vector<1000x32xf32>
    %get3A_34 = arith.constant 2 : index
    %get3A_35 = arith.constant 0 : index
    %get3A_36 = vector.load %arg3[%get3A_34, %get3A_35] : memref<4x32xf32, #tpu.memory_space<vmem>>, vector<1x32xf32>
    %mul3A_37 = vector.broadcast %get3A_36 : vector<1x32xf32> to vector<1000x32xf32>
    %mul3A_38 = arith.mulf %slice3A_33, %mul3A_37 : vector<1000x32xf32>
    %reduce_sum3A_39 = arith.constant dense<0.000000e+00> : vector<1000xf32>
    %reduce_sum3A_40 = vector.multi_reduction <add>, %mul3A_38, %reduce_sum3A_39 [1] : vector<1000x32xf32> to vector<1000xf32>
    %broadcast_in_dim3A_41 = vector.shape_cast %reduce_sum3A_40 : vector<1000xf32> to vector<1000x1xf32>
    %slice3A_42 = vector.extract_strided_slice %dot_general3A_5 {offsets = [0, 96], sizes = [1000, 32], strides = [1, 1]} : vector<1000x128xf32> to vector<1000x32xf32>
    %get3A_43 = arith.constant 3 : index
    %get3A_44 = arith.constant 0 : index
    %get3A_45 = vector.load %arg3[%get3A_43, %get3A_44] : memref<4x32xf32, #tpu.memory_space<vmem>>, vector<1x32xf32>
    %mul3A_46 = vector.broadcast %get3A_45 : vector<1x32xf32> to vector<1000x32xf32>
    %mul3A_47 = arith.mulf %slice3A_42, %mul3A_46 : vector<1000x32xf32>
    %reduce_sum3A_48 = arith.constant dense<0.000000e+00> : vector<1000xf32>
    %reduce_sum3A_49 = vector.multi_reduction <add>, %mul3A_47, %reduce_sum3A_48 [1] : vector<1000x32xf32> to vector<1000xf32>
    %broadcast_in_dim3A_50 = vector.shape_cast %reduce_sum3A_49 : vector<1000xf32> to vector<1000x1xf32>
    %slice3A_51 = vector.extract_strided_slice %dot_general3A_5 {offsets = [0, 0], sizes = [1000, 32], strides = [1, 1]} : vector<1000x128xf32> to vector<1000x32xf32>
    %get3A_52 = arith.constant 0 : index
    %get3A_53 = arith.constant 0 : index
    %get3A_54 = vector.load %arg4[%get3A_52, %get3A_53] : memref<4x32xf32, #tpu.memory_space<vmem>>, vector<1x32xf32>
    %mul3A_55 = vector.broadcast %get3A_54 : vector<1x32xf32> to vector<1000x32xf32>
    %mul3A_56 = arith.mulf %slice3A_51, %mul3A_55 : vector<1000x32xf32>
    %reduce_sum3A_57 = arith.constant dense<0.000000e+00> : vector<1000xf32>
    %reduce_sum3A_58 = vector.multi_reduction <add>, %mul3A_56, %reduce_sum3A_57 [1] : vector<1000x32xf32> to vector<1000xf32>
    %broadcast_in_dim3A_59 = vector.shape_cast %reduce_sum3A_58 : vector<1000xf32> to vector<1000x1xf32>
    %slice3A_60 = vector.extract_strided_slice %dot_general3A_5 {offsets = [0, 32], sizes = [1000, 32], strides = [1, 1]} : vector<1000x128xf32> to vector<1000x32xf32>
    %get3A_61 = arith.constant 1 : index
    %get3A_62 = arith.constant 0 : index
    %get3A_63 = vector.load %arg4[%get3A_61, %get3A_62] : memref<4x32xf32, #tpu.memory_space<vmem>>, vector<1x32xf32>
    %mul3A_64 = vector.broadcast %get3A_63 : vector<1x32xf32> to vector<1000x32xf32>
    %mul3A_65 = arith.mulf %slice3A_60, %mul3A_64 : vector<1000x32xf32>
    %reduce_sum3A_66 = arith.constant dense<0.000000e+00> : vector<1000xf32>
    %reduce_sum3A_67 = vector.multi_reduction <add>, %mul3A_65, %reduce_sum3A_66 [1] : vector<1000x32xf32> to vector<1000xf32>
    %broadcast_in_dim3A_68 = vector.shape_cast %reduce_sum3A_67 : vector<1000xf32> to vector<1000x1xf32>
    %slice3A_69 = vector.extract_strided_slice %dot_general3A_5 {offsets = [0, 64], sizes = [1000, 32], strides = [1, 1]} : vector<1000x128xf32> to vector<1000x32xf32>
    %get3A_70 = arith.constant 2 : index
    %get3A_71 = arith.constant 0 : index
    %get3A_72 = vector.load %arg4[%get3A_70, %get3A_71] : memref<4x32xf32, #tpu.memory_space<vmem>>, vector<1x32xf32>
    %mul3A_73 = vector.broadcast %get3A_72 : vector<1x32xf32> to vector<1000x32xf32>
    %mul3A_74 = arith.mulf %slice3A_69, %mul3A_73 : vector<1000x32xf32>
    %reduce_sum3A_75 = arith.constant dense<0.000000e+00> : vector<1000xf32>
    %reduce_sum3A_76 = vector.multi_reduction <add>, %mul3A_74, %reduce_sum3A_75 [1] : vector<1000x32xf32> to vector<1000xf32>
    %broadcast_in_dim3A_77 = vector.shape_cast %reduce_sum3A_76 : vector<1000xf32> to vector<1000x1xf32>
    %slice3A_78 = vector.extract_strided_slice %dot_general3A_5 {offsets = [0, 96], sizes = [1000, 32], strides = [1, 1]} : vector<1000x128xf32> to vector<1000x32xf32>
    %get3A_79 = arith.constant 3 : index
    %get3A_80 = arith.constant 0 : index
    %get3A_81 = vector.load %arg4[%get3A_79, %get3A_80] : memref<4x32xf32, #tpu.memory_space<vmem>>, vector<1x32xf32>
    %mul3A_82 = vector.broadcast %get3A_81 : vector<1x32xf32> to vector<1000x32xf32>
    %mul3A_83 = arith.mulf %slice3A_78, %mul3A_82 : vector<1000x32xf32>
    %reduce_sum3A_84 = arith.constant dense<0.000000e+00> : vector<1000xf32>
    %reduce_sum3A_85 = vector.multi_reduction <add>, %mul3A_83, %reduce_sum3A_84 [1] : vector<1000x32xf32> to vector<1000xf32>
    %broadcast_in_dim3A_86 = vector.shape_cast %reduce_sum3A_85 : vector<1000xf32> to vector<1000x1xf32>
    %concatenate3A = tpu.concatenate %broadcast_in_dim3A, %broadcast_in_dim3A_32, %broadcast_in_dim3A_41, %broadcast_in_dim3A_50, %broadcast_in_dim3A_59, %broadcast_in_dim3A_68, %broadcast_in_dim3A_77, %broadcast_in_dim3A_86 in 1 : vector<1000x1xf32>, vector<1000x1xf32>, vector<1000x1xf32>, vector<1000x1xf32>, vector<1000x1xf32>, vector<1000x1xf32>, vector<1000x1xf32>, vector<1000x1xf32> -> vector<1000x8xf32>
    %swap3A_87 = arith.constant 0 : index
    %swap3A_88 = arith.constant 0 : index
    %swap3A_89 = vector.load %arg6[%swap3A_87, %swap3A_88] : memref<1000x8xf32, #tpu.memory_space<vmem>>, vector<1000x8xf32>
    tpu.vector_store %arg6[%swap3A_87, %swap3A_88], %concatenate3A {strides = array<i32>} : memref<1000x8xf32, #tpu.memory_space<vmem>>, vector<1000x8xf32>,
    return
  }
  func.func @transform_0(%arg0: i32) -> (i32, i32) {
    %c0_i32 = arith.constant 0 : i32
    %c0_i32_0 = arith.constant 0 : i32
    return %arg0, %c0_i32 : i32, i32
  }
  func.func @transform_1(%arg0: i32) -> (i32, i32) {
    %c0_i32 = arith.constant 0 : i32
    %c0_i32_0 = arith.constant 0 : i32
    %c0_i32_1 = arith.constant 0 : i32
    return %c0_i32, %c0_i32_0 : i32, i32
  }
  func.func @transform_2(%arg0: i32) -> (i32, i32) {
    %c0_i32 = arith.constant 0 : i32
    %c0_i32_0 = arith.constant 0 : i32
    %c0_i32_1 = arith.constant 0 : i32
    return %c0_i32, %c0_i32_0 : i32, i32
  }
  func.func @transform_3(%arg0: i32) -> (i32, i32) {
    %c0_i32 = arith.constant 0 : i32
    %c0_i32_0 = arith.constant 0 : i32
    %c0_i32_1 = arith.constant 0 : i32
    return %c0_i32, %c0_i32_0 : i32, i32
  }
  func.func @transform_4(%arg0: i32) -> (i32, i32, i32) {
    %c0_i32 = arith.constant 0 : i32
    %c0_i32_0 = arith.constant 0 : i32
    %c0_i32_1 = arith.constant 0 : i32
    return %c0_i32, %arg0, %c0_i32_0 : i32, i32, i32
  }
  func.func @transform_5(%arg0: i32) -> (i32, i32) {
    %c0_i32 = arith.constant 0 : i32
    %c0_i32_0 = arith.constant 0 : i32
    return %arg0, %c0_i32 : i32, i32
  }
}

module attributes {stable_mosaic.version = 14 : i64} {
  func.func @_ep1_body(%arg0: i32, %arg1: memref<1000x128xf32, #tpu.memory_space<vmem>>, %arg2: memref<1000x4xf32, #tpu.memory_space<vmem>>, %arg3: memref<1000x128xf32, #tpu.memory_space<vmem>>, %arg4: memref<1000x8xf32, #tpu.memory_space<vmem>>, %arg5: memref<1x4xf32, #tpu.memory_space<vmem>>, %arg6: memref<1x128xf32, #tpu.memory_space<vmem>>, %arg7: memref<1000x128xf32, #tpu.memory_space<vmem>>, %arg8: memref<2x128xf32, #tpu.memory_space<vmem>>) attributes {dimension_semantics = [#tpu.dimension_semantics<arbitrary>], iteration_bounds = array<i64: 10>, scalar_prefetch = 0 : i64, scratch_operands = 0 : i64, tpu.core_type = #tpu.core_type<tc>, window_params = [{transform_indices = @transform_0, window_bounds = array<i64: 1000, 128>}, {transform_indices = @transform_1, window_bounds = array<i64: 1000, 4>}, {transform_indices = @transform_2, window_bounds = array<i64: 1000, 128>}, {transform_indices = @transform_3, window_bounds = array<i64: 1000, 8>}, {pipeline_mode = #tpu.pipeline_mode<synchronous>, transform_indices = @transform_4, window_bounds = array<i64: 1, 4>}, {pipeline_mode = #tpu.pipeline_mode<synchronous>, transform_indices = @transform_5, window_bounds = array<i64: 1, 128>}, {transform_indices = @transform_6, window_bounds = array<i64: 1000, 128>}, {pipeline_mode = #tpu.pipeline_mode<synchronous>, transform_indices = @transform_7, window_bounds = array<i64: 2, 128>}]} {
    %get3A = arith.constant 0 : index
    %get3A_0 = arith.constant 0 : index
    %get3A_1 = vector.load %arg4[%get3A, %get3A_0] : memref<1000x8xf32, #tpu.memory_space<vmem>>, vector<1000x4xf32>
    %get3A_2 = arith.constant 0 : index
    %get3A_3 = arith.constant 4 : index
    %get3A_4 = vector.load %arg4[%get3A_2, %get3A_3] : memref<1000x8xf32, #tpu.memory_space<vmem>>, vector<1000x4xf32>
    %add3A = arith.addf %get3A_1, %get3A_4 : vector<1000x4xf32>
    %ge3A = arith.constant 0.000000e+00 : f32
    %ge3A_5 = vector.broadcast %ge3A : f32 to vector<1000x4xf32>
    %ge3A_6 = arith.cmpf oge, %add3A, %ge3A_5 : vector<1000x4xf32>
    %mul3A = arith.constant 2.000000e-01 : f32
    %mul3A_7 = vector.broadcast %mul3A : f32 to vector<1000x4xf32>
    %mul3A_8 = arith.mulf %add3A, %mul3A_7 : vector<1000x4xf32>
    %select_n3A = arith.select %ge3A_6, %add3A, %mul3A_8 : vector<1000x4xi1>, vector<1000x4xf32>
    %get3A_9 = arith.constant 0 : index
    %get3A_10 = arith.constant 0 : index
    %get3A_11 = vector.load %arg5[%get3A_9, %get3A_10] : memref<1x4xf32, #tpu.memory_space<vmem>>, vector<1x4xf32>
    %sub3A = vector.broadcast %get3A_11 : vector<1x4xf32> to vector<1000x4xf32>
    %sub3A_12 = arith.subf %select_n3A, %sub3A : vector<1000x4xf32>
    %exp3A = math.exp %sub3A_12 : vector<1000x4xf32>
    %get3A_13 = arith.constant 0 : index
    %get3A_14 = arith.constant 0 : index
    %get3A_15 = vector.load %arg2[%get3A_13, %get3A_14] : memref<1000x4xf32, #tpu.memory_space<vmem>>, vector<1000x4xf32>
    %add3A_16 = arith.addf %get3A_15, %exp3A : vector<1000x4xf32>
    %slice3A = vector.extract_strided_slice %exp3A {offsets = [0, 0], sizes = [1000, 1], strides = [1, 1]} : vector<1000x4xf32> to vector<1000x1xf32>
    %broadcast_in_dim3A = vector.shape_cast %slice3A : vector<1000x1xf32> to vector<1000x1xf32>
    %broadcast_in_dim3A_17 = vector.broadcast %broadcast_in_dim3A : vector<1000x1xf32> to vector<1000x32xf32>
    %slice3A_18 = vector.extract_strided_slice %exp3A {offsets = [0, 1], sizes = [1000, 1], strides = [1, 1]} : vector<1000x4xf32> to vector<1000x1xf32>
    %broadcast_in_dim3A_19 = vector.shape_cast %slice3A_18 : vector<1000x1xf32> to vector<1000x1xf32>
    %broadcast_in_dim3A_20 = vector.broadcast %broadcast_in_dim3A_19 : vector<1000x1xf32> to vector<1000x32xf32>
    %slice3A_21 = vector.extract_strided_slice %exp3A {offsets = [0, 2], sizes = [1000, 1], strides = [1, 1]} : vector<1000x4xf32> to vector<1000x1xf32>
    %broadcast_in_dim3A_22 = vector.shape_cast %slice3A_21 : vector<1000x1xf32> to vector<1000x1xf32>
    %broadcast_in_dim3A_23 = vector.broadcast %broadcast_in_dim3A_22 : vector<1000x1xf32> to vector<1000x32xf32>
    %slice3A_24 = vector.extract_strided_slice %exp3A {offsets = [0, 3], sizes = [1000, 1], strides = [1, 1]} : vector<1000x4xf32> to vector<1000x1xf32>
    %broadcast_in_dim3A_25 = vector.shape_cast %slice3A_24 : vector<1000x1xf32> to vector<1000x1xf32>
    %broadcast_in_dim3A_26 = vector.broadcast %broadcast_in_dim3A_25 : vector<1000x1xf32> to vector<1000x32xf32>
    %concatenate3A = tpu.concatenate %broadcast_in_dim3A_17, %broadcast_in_dim3A_20, %broadcast_in_dim3A_23, %broadcast_in_dim3A_26 in 1 : vector<1000x32xf32>, vector<1000x32xf32>, vector<1000x32xf32>, vector<1000x32xf32> -> vector<1000x128xf32>
    %slice3A_27 = vector.extract_strided_slice %add3A_16 {offsets = [0, 0], sizes = [1000, 1], strides = [1, 1]} : vector<1000x4xf32> to vector<1000x1xf32>
    %broadcast_in_dim3A_28 = vector.shape_cast %slice3A_27 : vector<1000x1xf32> to vector<1000x1xf32>
    %broadcast_in_dim3A_29 = vector.broadcast %broadcast_in_dim3A_28 : vector<1000x1xf32> to vector<1000x32xf32>
    %slice3A_30 = vector.extract_strided_slice %add3A_16 {offsets = [0, 1], sizes = [1000, 1], strides = [1, 1]} : vector<1000x4xf32> to vector<1000x1xf32>
    %broadcast_in_dim3A_31 = vector.shape_cast %slice3A_30 : vector<1000x1xf32> to vector<1000x1xf32>
    %broadcast_in_dim3A_32 = vector.broadcast %broadcast_in_dim3A_31 : vector<1000x1xf32> to vector<1000x32xf32>
    %slice3A_33 = vector.extract_strided_slice %add3A_16 {offsets = [0, 2], sizes = [1000, 1], strides = [1, 1]} : vector<1000x4xf32> to vector<1000x1xf32>
    %broadcast_in_dim3A_34 = vector.shape_cast %slice3A_33 : vector<1000x1xf32> to vector<1000x1xf32>
    %broadcast_in_dim3A_35 = vector.broadcast %broadcast_in_dim3A_34 : vector<1000x1xf32> to vector<1000x32xf32>
    %slice3A_36 = vector.extract_strided_slice %add3A_16 {offsets = [0, 3], sizes = [1000, 1], strides = [1, 1]} : vector<1000x4xf32> to vector<1000x1xf32>
    %broadcast_in_dim3A_37 = vector.shape_cast %slice3A_36 : vector<1000x1xf32> to vector<1000x1xf32>
    %broadcast_in_dim3A_38 = vector.broadcast %broadcast_in_dim3A_37 : vector<1000x1xf32> to vector<1000x32xf32>
    %concatenate3A_39 = tpu.concatenate %broadcast_in_dim3A_29, %broadcast_in_dim3A_32, %broadcast_in_dim3A_35, %broadcast_in_dim3A_38 in 1 : vector<1000x32xf32>, vector<1000x32xf32>, vector<1000x32xf32>, vector<1000x32xf32> -> vector<1000x128xf32>
    %get3A_40 = arith.constant 0 : index
    %get3A_41 = arith.constant 0 : index
    %get3A_42 = vector.load %arg1[%get3A_40, %get3A_41] : memref<1000x128xf32, #tpu.memory_space<vmem>>, vector<1000x128xf32>
    %get3A_43 = arith.constant 0 : index
    %get3A_44 = arith.constant 0 : index
    %get3A_45 = vector.load %arg3[%get3A_43, %get3A_44] : memref<1000x128xf32, #tpu.memory_space<vmem>>, vector<1000x128xf32>
    %mul3A_46 = arith.mulf %concatenate3A, %get3A_45 : vector<1000x128xf32>
    %add3A_47 = arith.addf %get3A_42, %mul3A_46 : vector<1000x128xf32>
    %add3A_48 = arith.constant 1.000000e-16 : f32
    %add3A_49 = vector.broadcast %add3A_48 : f32 to vector<1000x128xf32>
    %add3A_50 = arith.addf %concatenate3A_39, %add3A_49 : vector<1000x128xf32>
    %div3A = arith.divf %add3A_47, %add3A_50 : vector<1000x128xf32>
    %get3A_51 = arith.constant 0 : index
    %get3A_52 = arith.constant 0 : index
    %get3A_53 = vector.load %arg6[%get3A_51, %get3A_52] : memref<1x128xf32, #tpu.memory_space<vmem>>, vector<1x128xf32>
    %add3A_54 = vector.broadcast %get3A_53 : vector<1x128xf32> to vector<1000x128xf32>
    %add3A_55 = arith.addf %div3A, %add3A_54 : vector<1000x128xf32>
    %swap3A = arith.constant 0 : index
    %swap3A_56 = arith.constant 0 : index
    %swap3A_57 = vector.load %arg7[%swap3A, %swap3A_56] : memref<1000x128xf32, #tpu.memory_space<vmem>>, vector<1000x128xf32>
    tpu.vector_store %arg7[%swap3A, %swap3A_56], %add3A_55 {strides = array<i32>} : memref<1000x128xf32, #tpu.memory_space<vmem>>, vector<1000x128xf32>,
    %reduce_sum3A = arith.constant dense<0.000000e+00> : vector<128xf32>
    %reduce_sum3A_58 = vector.multi_reduction <add>, %add3A_55, %reduce_sum3A [0] : vector<1000x128xf32> to vector<128xf32>
    %broadcast_in_dim3A_59 = vector.shape_cast %reduce_sum3A_58 : vector<128xf32> to vector<1x128xf32>
    %mul3A_60 = arith.mulf %add3A_55, %add3A_55 : vector<1000x128xf32>
    %reduce_sum3A_61 = arith.constant dense<0.000000e+00> : vector<128xf32>
    %reduce_sum3A_62 = vector.multi_reduction <add>, %mul3A_60, %reduce_sum3A_61 [0] : vector<1000x128xf32> to vector<128xf32>
    %broadcast_in_dim3A_63 = vector.shape_cast %reduce_sum3A_62 : vector<128xf32> to vector<1x128xf32>
    %concatenate3A_64 = tpu.concatenate %broadcast_in_dim3A_59, %broadcast_in_dim3A_63 in 0 : vector<1x128xf32>, vector<1x128xf32> -> vector<2x128xf32>
    %eq3A = arith.constant 0 : i32
    %eq3A_65 = arith.cmpi eq, %arg0, %eq3A : i32
    %convert_element_type3A = arith.extui %eq3A_65 : i1 to i32
    %cond3A = arith.constant 0 : i32
    %cond3A_66 = arith.cmpi ne, %convert_element_type3A, %cond3A : i32
    scf.if %cond3A_66 {
      %broadcast_in_dim3A_74 = arith.constant 0.000000e+00 : f32
      %broadcast_in_dim3A_75 = vector.broadcast %broadcast_in_dim3A_74 : f32 to vector<2x128xf32>
      %swap3A_76 = arith.constant 0 : index
      %swap3A_77 = arith.constant 0 : index
      %swap3A_78 = vector.load %arg8[%swap3A_76, %swap3A_77] : memref<2x128xf32, #tpu.memory_space<vmem>>, vector<2x128xf32>
      tpu.vector_store %arg8[%swap3A_76, %swap3A_77], %broadcast_in_dim3A_75 {strides = array<i32>} : memref<2x128xf32, #tpu.memory_space<vmem>>, vector<2x128xf32>,
    } else {
    }
    %get3A_67 = arith.constant 0 : index
    %get3A_68 = arith.constant 0 : index
    %get3A_69 = vector.load %arg8[%get3A_67, %get3A_68] : memref<2x128xf32, #tpu.memory_space<vmem>>, vector<2x128xf32>
    %add3A_70 = arith.addf %get3A_69, %concatenate3A_64 : vector<2x128xf32>
    %swap3A_71 = arith.constant 0 : index
    %swap3A_72 = arith.constant 0 : index
    %swap3A_73 = vector.load %arg8[%swap3A_71, %swap3A_72] : memref<2x128xf32, #tpu.memory_space<vmem>>, vector<2x128xf32>
    tpu.vector_store %arg8[%swap3A_71, %swap3A_72], %add3A_70 {strides = array<i32>} : memref<2x128xf32, #tpu.memory_space<vmem>>, vector<2x128xf32>,
    return
  }
  func.func @transform_0(%arg0: i32) -> (i32, i32) {
    %c0_i32 = arith.constant 0 : i32
    %c0_i32_0 = arith.constant 0 : i32
    return %arg0, %c0_i32 : i32, i32
  }
  func.func @transform_1(%arg0: i32) -> (i32, i32) {
    %c0_i32 = arith.constant 0 : i32
    %c0_i32_0 = arith.constant 0 : i32
    return %arg0, %c0_i32 : i32, i32
  }
  func.func @transform_2(%arg0: i32) -> (i32, i32) {
    %c0_i32 = arith.constant 0 : i32
    %c0_i32_0 = arith.constant 0 : i32
    return %arg0, %c0_i32 : i32, i32
  }
  func.func @transform_3(%arg0: i32) -> (i32, i32) {
    %c0_i32 = arith.constant 0 : i32
    %c0_i32_0 = arith.constant 0 : i32
    return %arg0, %c0_i32 : i32, i32
  }
  func.func @transform_4(%arg0: i32) -> (i32, i32) {
    %c0_i32 = arith.constant 0 : i32
    %c0_i32_0 = arith.constant 0 : i32
    %c0_i32_1 = arith.constant 0 : i32
    return %c0_i32, %c0_i32_0 : i32, i32
  }
  func.func @transform_5(%arg0: i32) -> (i32, i32) {
    %c0_i32 = arith.constant 0 : i32
    %c0_i32_0 = arith.constant 0 : i32
    %c0_i32_1 = arith.constant 0 : i32
    return %c0_i32, %c0_i32_0 : i32, i32
  }
  func.func @transform_6(%arg0: i32) -> (i32, i32) {
    %c0_i32 = arith.constant 0 : i32
    %c0_i32_0 = arith.constant 0 : i32
    return %arg0, %c0_i32 : i32, i32
  }
  func.func @transform_7(%arg0: i32) -> (i32, i32) {
    %c0_i32 = arith.constant 0 : i32
    %c0_i32_0 = arith.constant 0 : i32
    %c0_i32_1 = arith.constant 0 : i32
    return %c0_i32, %c0_i32_0 : i32, i32
  }
}

module attributes {stable_mosaic.version = 14 : i64} {
  func.func @_ep2_body(%arg0: i32, %arg1: memref<1000x128xf32, #tpu.memory_space<vmem>>, %arg2: memref<1x128xf32, #tpu.memory_space<vmem>>, %arg3: memref<1x128xf32, #tpu.memory_space<vmem>>, %arg4: memref<1x128xf32, #tpu.memory_space<vmem>>, %arg5: memref<1x128xf32, #tpu.memory_space<vmem>>, %arg6: memref<1000x128xf32, #tpu.memory_space<vmem>>) attributes {dimension_semantics = [#tpu.dimension_semantics<arbitrary>], iteration_bounds = array<i64: 10>, scalar_prefetch = 0 : i64, scratch_operands = 0 : i64, tpu.core_type = #tpu.core_type<tc>, window_params = [{transform_indices = @transform_0, window_bounds = array<i64: 1000, 128>}, {pipeline_mode = #tpu.pipeline_mode<synchronous>, transform_indices = @transform_1, window_bounds = array<i64: 1, 128>}, {pipeline_mode = #tpu.pipeline_mode<synchronous>, transform_indices = @transform_2, window_bounds = array<i64: 1, 128>}, {pipeline_mode = #tpu.pipeline_mode<synchronous>, transform_indices = @transform_3, window_bounds = array<i64: 1, 128>}, {pipeline_mode = #tpu.pipeline_mode<synchronous>, transform_indices = @transform_4, window_bounds = array<i64: 1, 128>}, {transform_indices = @transform_5, window_bounds = array<i64: 1000, 128>}]} {
    %get3A = arith.constant 0 : index
    %get3A_0 = arith.constant 0 : index
    %get3A_1 = vector.load %arg1[%get3A, %get3A_0] : memref<1000x128xf32, #tpu.memory_space<vmem>>, vector<1000x128xf32>
    %get3A_2 = arith.constant 0 : index
    %get3A_3 = arith.constant 0 : index
    %get3A_4 = vector.load %arg2[%get3A_2, %get3A_3] : memref<1x128xf32, #tpu.memory_space<vmem>>, vector<1x128xf32>
    %sub3A = vector.broadcast %get3A_4 : vector<1x128xf32> to vector<1000x128xf32>
    %sub3A_5 = arith.subf %get3A_1, %sub3A : vector<1000x128xf32>
    %get3A_6 = arith.constant 0 : index
    %get3A_7 = arith.constant 0 : index
    %get3A_8 = vector.load %arg3[%get3A_6, %get3A_7] : memref<1x128xf32, #tpu.memory_space<vmem>>, vector<1x128xf32>
    %add3A = arith.constant 9.99999974E-6 : f32
    %add3A_9 = vector.broadcast %add3A : f32 to vector<1x128xf32>
    %add3A_10 = arith.addf %get3A_8, %add3A_9 : vector<1x128xf32>
    %rsqrt3A = math.rsqrt %add3A_10 : vector<1x128xf32>
    %mul3A = vector.broadcast %rsqrt3A : vector<1x128xf32> to vector<1000x128xf32>
    %mul3A_11 = arith.mulf %sub3A_5, %mul3A : vector<1000x128xf32>
    %get3A_12 = arith.constant 0 : index
    %get3A_13 = arith.constant 0 : index
    %get3A_14 = vector.load %arg4[%get3A_12, %get3A_13] : memref<1x128xf32, #tpu.memory_space<vmem>>, vector<1x128xf32>
    %mul3A_15 = vector.broadcast %get3A_14 : vector<1x128xf32> to vector<1000x128xf32>
    %mul3A_16 = arith.mulf %mul3A_11, %mul3A_15 : vector<1000x128xf32>
    %get3A_17 = arith.constant 0 : index
    %get3A_18 = arith.constant 0 : index
    %get3A_19 = vector.load %arg5[%get3A_17, %get3A_18] : memref<1x128xf32, #tpu.memory_space<vmem>>, vector<1x128xf32>
    %add3A_20 = vector.broadcast %get3A_19 : vector<1x128xf32> to vector<1000x128xf32>
    %add3A_21 = arith.addf %mul3A_16, %add3A_20 : vector<1000x128xf32>
    %gt3A = arith.constant 0.000000e+00 : f32
    %gt3A_22 = vector.broadcast %gt3A : f32 to vector<1000x128xf32>
    %gt3A_23 = arith.cmpf ogt, %add3A_21, %gt3A_22 : vector<1000x128xf32>
    %exp3A = math.exp %add3A_21 : vector<1000x128xf32>
    %sub3A_24 = arith.constant 1.000000e+00 : f32
    %sub3A_25 = vector.broadcast %sub3A_24 : f32 to vector<1000x128xf32>
    %sub3A_26 = arith.subf %exp3A, %sub3A_25 : vector<1000x128xf32>
    %select_n3A = arith.select %gt3A_23, %add3A_21, %sub3A_26 : vector<1000x128xi1>, vector<1000x128xf32>
    %swap3A = arith.constant 0 : index
    %swap3A_27 = arith.constant 0 : index
    %swap3A_28 = vector.load %arg6[%swap3A, %swap3A_27] : memref<1000x128xf32, #tpu.memory_space<vmem>>, vector<1000x128xf32>
    tpu.vector_store %arg6[%swap3A, %swap3A_27], %select_n3A {strides = array<i32>} : memref<1000x128xf32, #tpu.memory_space<vmem>>, vector<1000x128xf32>,
    return
  }
  func.func @transform_0(%arg0: i32) -> (i32, i32) {
    %c0_i32 = arith.constant 0 : i32
    %c0_i32_0 = arith.constant 0 : i32
    return %arg0, %c0_i32 : i32, i32
  }
  func.func @transform_1(%arg0: i32) -> (i32, i32) {
    %c0_i32 = arith.constant 0 : i32
    %c0_i32_0 = arith.constant 0 : i32
    %c0_i32_1 = arith.constant 0 : i32
    return %c0_i32, %c0_i32_0 : i32, i32
  }
  func.func @transform_2(%arg0: i32) -> (i32, i32) {
    %c0_i32 = arith.constant 0 : i32
    %c0_i32_0 = arith.constant 0 : i32
    %c0_i32_1 = arith.constant 0 : i32
    return %c0_i32, %c0_i32_0 : i32, i32
  }
  func.func @transform_3(%arg0: i32) -> (i32, i32) {
    %c0_i32 = arith.constant 0 : i32
    %c0_i32_0 = arith.constant 0 : i32
    %c0_i32_1 = arith.constant 0 : i32
    return %c0_i32, %c0_i32_0 : i32, i32
  }
  func.func @transform_4(%arg0: i32) -> (i32, i32) {
    %c0_i32 = arith.constant 0 : i32
    %c0_i32_0 = arith.constant 0 : i32
    %c0_i32_1 = arith.constant 0 : i32
    return %c0_i32, %c0_i32_0 : i32, i32
  }
  func.func @transform_5(%arg0: i32) -> (i32, i32) {
    %c0_i32 = arith.constant 0 : i32
    %c0_i32_0 = arith.constant 0 : i32
    return %arg0, %c0_i32 : i32, i32
  }
}

</mosaic_0001>

<sc_bundles>
// kernel: kernel.6.cloned.1.call-start
scs
__scs_entry_jumppad:
0x0: {  	(pc) =	sbr.rel $0x88, $3  }
0x1: {  	(tag) =	ssettag $0x0;
	lr =	simm.s32 $0x1  }
0x2: {  	[smem:$0x3F99] =	sst lr;
	_ =	strace $0xD0000000  }
0x3: {  	_ = 	snop  }
0x4: {  	_ = 	snop  }
0x5: {  	_ = 	snop  }
0x6: {  	_ = 	snop  }
0x7: {  	_ = 	snop  }
__scs_overlays_trampoline_lowered:
0x8: {  	[smem:$0x3FA8] =	sst s0  }
0x9: {  	[smem:$0x3FA9] =	sst s1  }
0xa: {  	[smem:$0x3FAA] =	sst s2  }
0xb: {  	[smem:$0x3FAB] =	sst s3  }
0xc: {  	[smem:$0x3FAC] =	sst s4  }
0xd: {  	[smem:$0x3FAD] =	sst s5  }
0xe: {  	[smem:$0x3FAE] =	sst s6  }
0xf: {  	[smem:$0x3FAF] =	sst s7  }
0x10: {  	[smem:$0x3FB0] =	sst s8  }
0x11: {  	[smem:$0x3FB1] =	sst s9;
	s0 =	simm.s32 @!p0 $0x0  }
0x12: {  	s1 =	sld [smem:$0x3F97];
	s0 =	simm.s32 @p0 $0x1  }
0x13: {  	[smem:$0x3FB2] =	sst s0;
	s0 =	simm.s32 @!p1 $0x0  }
0x14: {  	s2 =	sld [smem:$0x3F96];
	s0 =	simm.s32 @p1 $0x1  }
0x15: {  	[smem:$0x3FB3] =	sst s0;
	s0 =	simm.s32 @!p2 $0x0  }
0x16: {  	s3 =	sld [smem:$0x3FDB];
	s0 =	simm.s32 @p2 $0x1  }
0x17: {  	s4 =	simm.s32 $0x1BF5;
	[smem:$0x3FB5] =	sst s0  }
0x18: {  	s0 =	sld [smem:$0x3F98];
	_ =	swait.ge [sflag:s4], $0x0  }
0x19: {  	s7 =	sld [smem:$0x3F99]  }
0x1a: {  	s8 =	sadd.s32 $0xFFFFE003, lr  }
0x1b: {  	s9 =	sadd.s32 $0xFFFFFEF7, lr;
	s5 =	simm.s32 $0xFFFFFFFF;
	p2 =	slt.u32 s8, $0xFFFFF086  }
0x1c: {  	p1 =	slt.u32 s9, $0xF7A;
	s5 =	simm.s32 @!p2 $0x0  }
0x1d: {  	s5 =	simm.s32 @p1 $0x1;
	p0 =	seq.s32 s7, s2  }
0x1e: {  	s7 =	smul.u32 @!p0 $0xF7A, s2;
	p2 =	seq.s32 @!p0 s5, $0x0  }
0x1f: {  	s9 =	smul.u32 $0xF7A, s1;
	s8 =	simm.s32 @!p0 $0x1BF5;
	p2 =	por !p2, p0  }
0x20: {  	[sflag:s8] =	ssyncset.s32 @!p0 $0xFFFFF086;
	s6 =	sadd.s32 @!p0 s3, s7;
	s7 =	simm.s32 @!p0 $0x108  }
0x21: {  	s3 =	sadd.s32 s3, s9;
	s6 =	sadd.s32 @!p0 $0x88, s6;
	s7 =	simm.s32 @p2 $0x1082  }
0x22: {  	[simem:s7], [sflag:s8] =	dma.local @!p0 [hbm:s6], $0xF7A  }
0x23: {  	s9 =	sor.u32 $0xD0000000, s2;
	s6 =	simm.s32 $0x108;
	_ =	swait.ge @!p0 [sflag:s8], $0x0  }
0x24: {  	s3 =	sadd.s32 $0x88, s3;
	s6 =	simm.s32 @!p1 $0x1082;
	[sflag:s4] =	ssyncset.s32 $0xFFFFF086  }
0x25: {  	[simem:s6], [sflag:s4] =	dma.local [hbm:s3], $0xF7A  }
0x26: {  	[smem:$0x3F99] =	sst s1;
	(tag) =	ssettag s2;
	_ =	strace s9  }
0x27: {  	s1 =	sld [smem:$0x3FA9]  }
0x28: {  	s2 =	sld [smem:$0x3FAA]  }
0x29: {  	s4 =	sld [smem:$0x3FAC]  }
0x2a: {  	p0 =	seq.s32 s5, $0x0;
	s5 =	sld [smem:$0x3FAD]  }
0x2b: {  	s6 =	sld [smem:$0x3FAE]  }
0x2c: {  	s7 =	sld [smem:$0x3FAF]  }
0x2d: {  	s3 =	simm.s32 $0x108;
	s8 =	sld [smem:$0x3FB0]  }
0x2e: {  	s3 =	simm.s32 @!p0 $0x1082;
	s9 =	sld [smem:$0x3FB1]  }
0x2f: {  	lr =	sadd.s32 s0, s3;
	s0 =	sld [smem:$0x3FA8]  }
0x30: {  	s3 =	sld [smem:$0x3FAB]  }
0x31: {  	[smem:$0x3FB4] =	sst s10  }
0x32: {  	s10 =	sld [smem:$0x3FB2];
	_ =	sdelay $0x3  }
0x33: {  	p0 =	seq.s32 s10, $0x1;
	s10 =	sld [smem:$0x3FB4];
	_ =	sdelay $0x3  }
0x34: {  	[smem:$0x3FB4] =	sst s10  }
0x35: {  	s10 =	sld [smem:$0x3FB3];
	_ =	sdelay $0x3  }
0x36: {  	p1 =	seq.s32 s10, $0x1;
	s10 =	sld [smem:$0x3FB4];
	_ =	sdelay $0x3  }
0x37: {  	[smem:$0x3FB4] =	sst s10  }
0x38: {  	s10 =	sld [smem:$0x3FB5]  }
0x39: {  	_ = 	snop;
	(pc) =	sbr.ind lr, $3  }
0x3a: {  	_ = 	snop  }
0x3b: {  	_ = 	snop  }
0x3c: {  	p2 =	seq.s32 s10, $0x1;
	s10 =	sld [smem:$0x3FB4]  }
0x3d: {  	_ =	shalt  }
0x3e: {  	_ =	shalt  }
0x3f: {  	_ =	shalt  }
0x40: {  	_ =	shalt  }
0x41: {  	_ =	shalt  }
0x42: {  	_ =	shalt  }
0x43: {  	_ =	shalt  }
0x44: {  	_ =	shalt  }
0x45: {  	_ =	shalt  }
0x46: {  	_ =	shalt  }
0x47: {  	_ =	shalt  }
0x48: {  	_ =	shalt  }
0x49: {  	_ =	shalt  }
0x4a: {  	_ =	shalt  }
0x4b: {  	_ =	shalt  }
0x4c: {  	_ =	shalt  }
0x4d: {  	_ =	shalt  }
0x4e: {  	_ =	shalt  }
0x4f: {  	_ =	shalt  }
0x50: {  	_ =	shalt  }
0x51: {  	_ =	shalt  }
0x52: {  	_ =	shalt  }
0x53: {  	_ =	shalt  }
0x54: {  	_ =	shalt  }
0x55: {  	_ =	shalt  }
0x56: {  	_ =	shalt  }
0x57: {  	_ =	shalt  }
0x58: {  	_ =	shalt  }
0x59: {  	_ =	shalt  }
0x5a: {  	_ =	shalt  }
0x5b: {  	_ =	shalt  }
0x5c: {  	_ =	shalt  }
0x5d: {  	_ =	shalt  }
0x5e: {  	_ =	shalt  }
0x5f: {  	_ =	shalt  }
0x60: {  	_ =	shalt  }
0x61: {  	_ =	shalt  }
0x62: {  	_ =	shalt  }
0x63: {  	_ =	shalt  }
0x64: {  	_ =	shalt  }
0x65: {  	_ =	shalt  }
0x66: {  	_ =	shalt  }
0x67: {  	_ =	shalt  }
0x68: {  	_ =	shalt  }
0x69: {  	_ =	shalt  }
0x6a: {  	_ =	shalt  }
0x6b: {  	_ =	shalt  }
0x6c: {  	_ =	shalt  }
0x6d: {  	_ =	shalt  }
0x6e: {  	_ =	shalt  }
0x6f: {  	_ =	shalt  }
0x70: {  	_ =	shalt  }
0x71: {  	_ =	shalt  }
0x72: {  	_ =	shalt  }
0x73: {  	_ =	shalt  }
0x74: {  	_ =	shalt  }
0x75: {  	_ =	shalt  }
0x76: {  	_ =	shalt  }
0x77: {  	_ =	shalt  }
0x78: {  	_ =	shalt  }
0x79: {  	_ =	shalt  }
0x7a: {  	_ =	shalt  }
0x7b: {  	_ =	shalt  }
0x7c: {  	_ =	shalt  }
0x7d: {  	_ =	shalt  }
0x7e: {  	_ =	shalt  }
0x7f: {  	_ =	shalt  }
0x80: {  	_ =	shalt  }
0x81: {  	_ =	shalt  }
0x82: {  	_ =	shalt  }
0x83: {  	_ =	shalt  }
0x84: {  	_ =	shalt  }
0x85: {  	_ =	shalt  }
0x86: {  	_ =	shalt  }
0x87: {  	_ =	shalt  }
.Lfunc_end0:
.L_simem_size_0:
called_computation_lowered:
.L_overlay_start_0:
0x88: {  	s2 =	sld [smem:$0x3FD9]  }
0x89: {  	s3 =	sld [smem:$0x3FFE];
	_ =	sdelay $0x1  }
0x8a: {  	s1 =	srdreg.scid  }
0x8b: {  	s0 =	sand.u32 $0x1, s1  }
0x8c: {  	s17 =	sshll.u32 s0, $0xA;
	s2 =	sadd.s32 s3, s2  }
0x8d: {  	s2 =	sadd.s32 s2, s17  }
0x8e: {  	[smem:$0x3FC0] =	sst s2  }
0x8f: {  	_ = 	snop  }
0x90: {  	s2 =	sld [smem:$0x3FD0];
	(tm) =	ssettm $0x1  }
0x91: {  	s18 =	sld [smem:$0x3FFB];
	_ =	sdelay $0x3  }
0x92: {  	_ =	strace s18  }
0x93: {  	s3 =	sld [smem:$0x3FFC];
	_ =	sdelay $0x3  }
0x94: {  	_ =	strace s3  }
0x95: {  	s3 =	sld [smem:$0x3FFD];
	_ =	sdelay $0x3  }
0x96: {  	_ =	strace s3  }
0x97: {  	_ =	strace $0x8FFFFFFF  }
0x98: {  	s19 =	sld [smem:$0x3FDB];
	_ =	sdelay $0x1  }
0x99: {  	s4 =	simm.s32 $_scs_section_size  }
0x9a: {  	s5 =	simm.s32 $_size__tile_overlayer_lowered;
	s6 =	simm.s32 $_tile_overlayer_lowered  }
0x9b: {  	s22 =	simm.s32 $0x1BFF;
	s21 =	sshll.u32 s6, $0x1;
	s3 =	sadd.s32 s4, s19  }
0x9c: {  	s7 =	simm.s32 $0x0;
	s20 =	sshll.u32 s5, $0x1;
	s5 =	sadd.s32 s21, s3  }
0x9d: {  	[timem:s7], [sflag:s22] =	dma.local [hbm:s5], s20  }
0x9e: {  	_ =	swait.ge [sflag:s22], s20  }
0x9f: {  	s4 =	ssub.s32 $0x0, s20;
	[sflag:s22] =	ssyncset.done $0x0  }
0xa0: {  	[sflag:s22] =	ssyncadd.s32 s4;
	_ =	sdelay $0x1  }
0xa1: {  	s23 =	simm.s32 $0x1B8B  }
0xa2: {  	_ =	swait.ge [sflag:s23], $0x1  }
0xa3: {  	[sflag:s23] =	ssyncset.done $0x0  }
0xa4: {  	s25 =	simm.s32 $0x1B8E;
	s24 =	sld [smem:$0x3FFE];
	[sflag:s23] =	ssyncadd.s32 $0xFFFFFFFF  }
0xa5: {  	s26 =	simm.s32 $execute0_lowered;
	[smem:$0x3FD2] =	sst s25  }
0xa6: {  	s5 =	sshll.u32 s26, $0x1;
	_ =	strace $0x80000046;
	[dreg:$0x1] =	wrdreg $0xFFFFFFFF  }
0xa7: {  	s28 =	simm.s32 $_size_execute0_lowered;
	s3 =	sadd.s32 s3, s5;
	[dreg:$0x0] =	wrdreg $0x0  }
0xa8: {  	s5 =	sshll.u32 s28, $0x1;
	[dreg:$0x2] =	wrdreg s3  }
0xa9: {  	[dreg:$0x3] =	wrdreg s5  }
0xaa: {  	[dreg:$0x4] =	wrdreg $0xC0  }
0xab: {  	_ =	task [dreg:s7], $0x5FFFF  }
0xac: {  	[dreg:$0x1] =	wrdreg $0xFFFFFFFF  }
0xad: {  	[dreg:$0x0] =	wrdreg $0x60  }
0xae: {  	[dreg:$0x2] =	wrdreg s2  }
0xaf: {  	[dreg:$0x3] =	wrdreg s24  }
0xb0: {  	[dreg:$0x4] =	wrdreg $0x14FB00  }
0xb1: {  	[dreg:$0x5] =	wrdreg $0x1EBF00  }
0xb2: {  	[dreg:$0x6] =	wrdreg $0x9  }
0xb3: {  	_ =	task.clear_ibuf [dreg:s7], $0x7FFFF;
	_ =	strace $0x90000046  }
0xb4: {  	s29 =	simm.s32 $0x9;
	_ =	strace $0x80000048  }
0xb5: {  	_ =	swait.ge [sflag:s29], $0x1  }
0xb6: {  	[sflag:s29] =	ssyncadd.s32 $0xFFFFFFFF  }
0xb7: {  	_ =	strace $0x90000048  }
0xb8: {  	_ =	sfence  }
0xb9: {  	s30 =	sld [smem:$0x0];
	_ =	sdelay $0x2  }
0xba: {  	s31 =	sshll.u32 s1, $0xD;
	s1 =	sshrl.u32 s1, $0x2  }
0xbb: {  	s3 =	sand.u32 $0x4000, s31;
	s1 =	sadd.s32 s1, s30  }
0xbc: {  	s0 =	sor.u32 s3, s0;
	s1 =	sshll.u32 s1, $0x11  }
0xbd: {  	s0 =	sor.u32 s1, s0  }
0xbe: {  	s0 =	sadd.s32 $0x8F2B, s0  }
0xbf: {  	[sflag:s0] =	ssyncadd.remote.s32 $0x1  }
0xc0: {  	_ =	sfence.sel $0xFFFF  }
0xc1: {  	[dreg:$0x0] =	wrdreg $0xFFFFFFFF;
	(pc) =	sbr.abs _section_cstart, $3  }
0xc2: {  	[dreg:$0x1] =	wrdreg $0xFFFFFFFF  }
0xc3: {  	_ =	task.clear_ibuf [dreg:s7], $0x2FFFF;
	_ =	strace $0x9FFFFFFF  }
0xc4: {  	(tm) =	ssettm $0x7FFFFFFF  }
0xc5: {  	_ =	shalt  }
tec
execute0_lowered:
.L_overlay_start_1:
0x0: {  	(tag) =	ssettag $0x1  }
0x1: {  	s0 =	rddreg [dreg:$0x0]  }
0x2: {  	s2 =	rddreg [dreg:$0x1]  }
0x3: {  	s1 =	rddreg [dreg:$0x2]  }
0x4: {  	s3 =	rddreg [dreg:$0x3];
	s4 =	simm.s32 $0x0;
	s15 =	stileid.u32  }
0x5: {  	s8 =	srdreg.scid;
	s28 =	simm.s32 $0x4E200;
	s29 =	simm.s32 $0x13880  }
0x6: {  	s30 =	simm.s32 $0x13920;
	s31 =	simm.s32 $0x1;
	[smem:$0x7FF] =	sst s4  }
0x7: {  	s5 =	sadd.s32 $0x29400, s2;
	s23 =	smul.u32 $0x9E00, s15;
	s6 =	sadd.s32 $0x2BE00, s2  }
0x8: {  	s7 =	smul.u32 $0x13C0, s15;
	s9 =	sadd.s32 $0x2BC00, s2;
	s8 =	sand.u32 $0x1, s8  }
0x9: {  	s12 =	sadd.s32 $0x55A00, s2;
	_ =	strace $0x80000047;
	[dreg:$0x5] =	wrdreg s5  }
0xa: {  	s14 =	sadd.s32 $0x7CC00, s2;
	s16 =	sadd.s32 $0x94200, s1;
	[dreg:$0x6] =	wrdreg s9  }
0xb: {  	s17 =	sadd.s32 $0x52040, s2;
	s18 =	sadd.s32 $0x12840, s3;
	[dreg:$0xb] =	wrdreg s16  }
0xc: {  	p0 =	seq.s32 s15, $0xF;
	s11 =	ssub.s32 $0x2, s8;
	[dreg:$0xc] =	wrdreg s17  }
0xd: {  	[dreg:$0xd] =	wrdreg s18;
	s19 =	smul.u32 $0x13880, s8;
	s20 =	sshll.u32 s8, $0x1  }
0xe: {  	s16 =	smul.u32 $0x4E20, s15;
	s24 =	sshrl.u32 s23, $0x3;
	s10 =	sshrl.u32 s7, $0x3  }
0xf: {  	s13 =	sshrl.u32 s11, $0x1;
	s25 =	sadd.s32 s23, s1;
	s26 =	sadd.s32 s7, s3  }
0x10: {  	s9 =	sadd.s32 s24, s2;
	s10 =	sadd.s32 s10, s2;
	[dreg:$0x7] =	wrdreg s25  }
0x11: {  	s11 =	ssub.s32 s11, s13;
	[dreg:$0x9] =	wrdreg s26;
	s2 =	sadd.s32 $0x55708, s2  }
0x12: {  	s13 =	smul.u32 $0x9C400, s8;
	s9 =	sadd.s32 $0x3F800, s9;
	[dreg:$0xe] =	wrdreg s2  }
0x13: {  	s17 =	sadd.s32 s0, s19;
	s10 =	sadd.s32 $0x53200, s10;
	[dreg:$0x8] =	wrdreg s9  }
0x14: {  	s25 =	sshrl.u32 s19, $0x3;
	s2 =	simm.s32 $0x0;
	[dreg:$0xa] =	wrdreg s10  }
0x15: {  	s5 =	sadd.s32 s23, s13;
	s23 =	sadd.s32 s7, s19;
	s24 =	sshrl.u32 s13, $0x3  }
0x16: {  	s7 =	sadd.s32 s14, s25;
	s13 =	simm.s32 $0x14FA0;
	s25 =	simm.s32 $0x14D20  }
.Ltmp0:
0x17: {  	s5 =	sshrl.u32 s5, $0x3;
	s0 =	sshrl.u32 s23, $0x3;
	(pc) =	sbr.rel .LBB2_1-.Ltmp0, $4  }
0x18: {  	v5 =	vlaneseq.u32;
	v6 =	vimm.f32 $0.0e+00;
	s21 =	sadd.s32 $0x2508, s7;
	s23 =	simm.s32 $0x2;
	s22 =	sadd.s32 s12, s5  }
0x19: {  	v0 =	vand.u32 $0x1, v5;
	v3 =	vshrl.u32 v5, $0x3;
	v4 =	vshrl.u32 v5, $0x1;
	s5 =	sadd.s32 s12, s24;
	s0 =	sadd.s32 s14, s0;
	[dreg:$0xf] =	wrdreg s22  }
0x1a: {  	v5 =	vand.u32 $0x7, v5;
	v2 =	vor.u32 $0x4, v0;
	v3 =	vmul.u32 $0x8, v3;
	[dreg:$0x10] =	wrdreg s0;
	s26 =	sadd.s32 $0x12840, s5;
	s22 =	smax.u32 s11, $0x1  }
0x1b: {  	v7 =	vor.u32 $0x50, v4;
	v1 =	vor.u32 s20, v0;
	v2 =	vor.u32 s20, v2;
	s0 =	simm.s32 $0x138D0;
	[dreg:$0x11] =	wrdreg s26;
	s26 =	simm.s32 $0x50  }
.LBB2_12:
0x1c: {  	[bflag:$0x0] =	sbarrier.arrive $0xFFFF  }
0x1d: {  	s11 =	simm.s32 @p0 $0x1FC2;
	s12 =	rddreg [dreg:$0x11]  }
0x1e: {  	[hbm:s12], [sflag:s11] =	dma.local @p0 [spmem:s7], $0x1040  }
0x1f: {  	s7 =	simm.s32 @p0 $0x2  }
0x20: {  	_ =	swait.ge @p0 [sflag:s7], $0x1040  }
0x21: {  	[sflag:s7] =	ssyncset.done @p0 $0x0  }
0x22: {  	[sflag:s7] =	ssyncadd.s32 @p0 $0xFFFFEFC0  }
0x23: {  	[hbm:s21], [sflag:s11] =	dma.local @p0 [spmem:s8], $0x208  }
0x24: {  	_ =	swait.ge @p0 [sflag:s7], $0x208  }
0x25: {  	[sflag:s7] =	ssyncset.done @p0 $0x0  }
0x26: {  	[sflag:s7] =	ssyncadd.s32 @p0 $0xFFFFFDF8;
	s7 =	rddreg [dreg:$0xf]  }
0x27: {  	[hbm:s7], [sflag:s5] =	dma.local @!p0 [spmem:s9], $0x13C0  }
0x28: {  	s7 =	simm.s32 @!p0 $0x2  }
0x29: {  	s2 =	sadd.s32 $0x1, s2;
	_ =	swait.ge @!p0 [sflag:s7], $0x13C0  }
0x2a: {  	p1 =	sne.s32 s2, s22;
	[sflag:s7] =	ssyncset.done @!p0 $0x0  }
.Ltmp1:
0x2b: {  	s8 =	rddreg [dreg:$0x10];
	[sflag:s7] =	ssyncadd.s32 @!p0 $0xFFFFEC40;
	(pc) =	sbr.rel @!p1 .LBB2_13-.Ltmp1, $4  }
0x2c: {  	[hbm:s8], [sflag:s5] =	dma.local @!p0 [spmem:s10], $0x278  }
0x2d: {  	_ =	swait.ge @!p0 [sflag:s7], $0x278  }
0x2e: {  	[sflag:s7] =	ssyncset.done @!p0 $0x0  }
0x2f: {  	s13 =	simm.s32 $0x14FA0;
	[sflag:s7] =	ssyncadd.s32 @!p0 $0xFFFFFD88  }
.LBB2_1:
0x30: {  	s5 =	rddreg [dreg:$0x5]  }
0x31: {  	[tilespmem:s4], [sflag:$0x2] =	stream.linear.gather [hbm4b:s5+s4], $0x13880, $0x38;
	[tilespmem:$0x1FF78] =	vst v63  }
0x32: {  	_ =	swait.ge [sflag:s23], $0x13880  }
0x33: {  	[sflag:s23] =	ssyncset.done $0x0  }
0x34: {  	s24 =	rddreg [dreg:$0x6];
	[sflag:s23] =	ssyncadd.s32 $0xFFFEC780  }
0x35: {  	v8 =	vmov s4;
	[tilespmem:s13], [sflag:$0x2] =	stream.linear.gather [hbm4b:s24+s4], $0x10, $0x38;
	[tilespmem:$0x1FF78] =	vst v63  }
0x36: {  	v8 =	vshll.u32 v8, $0x3;
	_ =	swait.ge [sflag:s23], $0x10  }
0x37: {  	v8 =	vor.u32 v3, v8;
	[sflag:s23] =	ssyncset.done $0x0  }
0x38: {  	s5 =	simm.s32 $0x2;
	v8 =	vor.u32 v5, v8;
	[sflag:s23] =	ssyncadd.s32 $0xFFFFFFF0  }
.LBB2_2:
0x39: {  	p1 =	sne.s32 s5, $0x4E  }
.Ltmp2:
0x3a: {  	_ = 	snop;
	(pc) =	sbr.rel @p1 .LBB2_2-.Ltmp2, $4  }
0x3b: {  	v9 =	vmov s5  }
0x3c: {  	v9 =	vshll.u32 v9, $0x3  }
0x3d: {  	v9 =	vor.u32 v3, v9  }
0x3e: {  	s5 =	sadd.s32 $0x2, s5;
	[tilespmem:v8+s25+$0x0] =	vst.idx.msk $0xffff, v6;
	v8 =	vor.u32 v5, v9  }
0x3f: {  	_ =	sdelay $0x1  }
0x40: {  	s5 =	rddreg [dreg:$0xb]  }
0x41: {  	s8 =	rddreg [dreg:$0xc]  }
0x42: {  	[tilespmem:v8+s25+$0x0] =	vst.idx.msk $0xffff, v6;
	s9 =	simm.s32 @p0 $0x2;
	s7 =	sshrl.u32 @p0 s5, $0x3;
	s5 =	simm.s32 @p0 $0x1FC2  }
0x43: {  	[spmem:s7], [sflag:s5] =	dma.local @p0 [hbm:s8], $0x1040  }
0x44: {  	_ =	swait.ge @p0 [sflag:s9], $0x1040  }
0x45: {  	[sflag:s9] =	ssyncset.done @p0 $0x0;
	s8 =	rddreg [dreg:$0xd]  }
0x46: {  	s10 =	rddreg [dreg:$0xe];
	[sflag:s9] =	ssyncadd.s32 @p0 $0xFFFFEFC0;
	s8 =	sshrl.u32 @p0 s8, $0x3  }
0x47: {  	[spmem:s8], [sflag:s5] =	dma.local @p0 [hbm:s10], $0x208  }
0x48: {  	_ =	swait.ge @p0 [sflag:s9], $0x208  }
0x49: {  	s11 =	simm.s32 @!p0 $0x2;
	s5 =	stileid.u32;
	[sflag:s9] =	ssyncset.done @p0 $0x0  }
0x4a: {  	s5 =	sshll.u32 @!p0 s5, $0x6;
	[sflag:s9] =	ssyncadd.s32 @p0 $0xFFFFFDF8;
	s9 =	rddreg [dreg:$0x7]  }
0x4b: {  	s5 =	sor.u32 @!p0 $0x1C02, s5;
	s10 =	rddreg [dreg:$0x8];
	s9 =	sshrl.u32 @!p0 s9, $0x3  }
0x4c: {  	[spmem:s9], [sflag:s5] =	dma.local @!p0 [hbm:s10], $0x13C0  }
0x4d: {  	_ =	swait.ge @!p0 [sflag:s11], $0x13C0  }
0x4e: {  	[sflag:s11] =	ssyncset.done @!p0 $0x0;
	s10 =	rddreg [dreg:$0x9]  }
0x4f: {  	s12 =	rddreg [dreg:$0xa];
	[sflag:s11] =	ssyncadd.s32 @!p0 $0xFFFFEC40;
	s10 =	sshrl.u32 @!p0 s10, $0x3  }
0x50: {  	[spmem:s10], [sflag:s5] =	dma.local @!p0 [hbm:s12], $0x278  }
0x51: {  	_ =	swait.ge @!p0 [sflag:s11], $0x278  }
0x52: {  	[sflag:s11] =	ssyncset.done @!p0 $0x0  }
0x53: {  	[sflag:s11] =	ssyncadd.s32 @!p0 $0xFFFFFD88  }
0x54: {  	[bflag:$0x0] =	sbarrier.arrive $0xFFFF  }
0x55: {  	s12 =	simm.s32 $0x0;
	s11 =	simm.s32 $0x0;
	v8 =	vld.idx.msk [tilespmem:v1+s13+$0x0], $0xffff  }
.LBB2_4:
0x56: {  	s13 =	smul.u32 $0x50, s12;
	_ =	sdelay $0x1  }
0x57: {  	s13 =	sadd.s32 s16, s13  }
0x58: {  	s13 =	sshrl.u32 s13, $0x3  }
0x59: {  	s13 =	sadd.s32 s6, s13  }
0x5a: {  	[tilespmem:s29], [sflag:$0x2] =	stream.strided.gather [hbm4b:s13+s26], $0xA0, s28, s26, $0x38;
	[tilespmem:$0x1FF78] =	vst v63  }
0x5b: {  	_ =	swait.ge [sflag:s23], $0xA0  }
0x5c: {  	s24 =	simm.s32 $0x0;
	[sflag:s23] =	ssyncset.done $0x0  }
0x5d: {  	v15 =	vor.u32 s24, v4;
	[sflag:s23] =	ssyncadd.s32 $0xFFFFFF60  }
0x5e: {  	v9 =	vadd.s32 s24, v7;
	[tilespmem:s30], [sflag:$0x1] =	stream.indirect.gather [hbm4b:s17+s26], $0x40, s29, s26, $0xb8;
	[tilespmem:$0x1FF78] =	vst v63  }
0x5f: {  	_ =	swait.ge [sflag:s31], $0x1400  }
0x60: {  	s14 =	simm.s32 $0x8;
	[sflag:s31] =	ssyncset.done $0x0  }
0x61: {  	v11 =	vor.u32 s14, v4;
	[sflag:s31] =	ssyncadd.s32 $0xFFFFEC00  }
0x62: {  	v10 =	vadd.s32 s14, v7;
	v12 =	vld.idx.msk [tilespmem:v15+s29+$0x0], $0xffff  }
0x63: {  	v13 =	vld.idx.msk [tilespmem:v9+s29+$0x0], $0xffff;
	_ =	sdelay $0x1  }
0x64: {  	s14 =	simm.s32 $0x10  }
0x65: {  	v17 =	vadd.s32 s14, v7;
	v14 =	vld.idx.msk [tilespmem:v11+s29+$0x0], $0xffff  }
0x66: {  	v10 =	vld.idx.msk [tilespmem:v10+s29+$0x0], $0xffff;
	v9 =	vor.u32 s14, v4;
	v12 =	vshll.u32 v12, $0x3  }
0x67: {  	v13 =	vshll.u32 v13, $0x3;
	v12 =	vor.u32 v1, v12  }
0x68: {  	s15 =	simm.s32 $0x18;
	v13 =	vor.u32 v2, v13  }
0x69: {  	v16 =	vor.u32 s15, v4  }
0x6a: {  	v18 =	vadd.s32 s15, v7;
	v17 =	vld.idx.msk [tilespmem:v17+s29+$0x0], $0xffff;
	v14 =	vshll.u32 v14, $0x3  }
0x6b: {  	v10 =	vshll.u32 v10, $0x3;
	v20 =	vld.idx.msk [tilespmem:v9+s29+$0x0], $0xffff;
	v14 =	vor.u32 v1, v14  }
0x6c: {  	v21 =	vor.u32 v2, v10;
	v12 =	vld.idx.msk [tilespmem:v12+s11+$0x0], $0xffff  }
0x6d: {  	v13 =	vld.idx.msk [tilespmem:v13+s11+$0x0], $0xffff  }
0x6e: {  	s18 =	simm.s32 $0x28;
	v19 =	vld.idx.msk [tilespmem:v16+s29+$0x0], $0xffff  }
0x6f: {  	s19 =	simm.s32 $0x20;
	v22 =	vor.u32 s18, v4;
	v18 =	vld.idx.msk [tilespmem:v18+s29+$0x0], $0xffff  }
0x70: {  	v23 =	vadd.s32 s19, v7;
	v14 =	vld.idx.msk [tilespmem:v14+s11+$0x0], $0xffff  }
0x71: {  	v17 =	vshll.u32 v17, $0x3;
	v10 =	vor.u32 s19, v4;
	v21 =	vld.idx.msk [tilespmem:v21+s11+$0x0], $0xffff  }
0x72: {  	v17 =	vor.u32 v2, v17;
	v20 =	vshll.u32 v20, $0x3;
	v24 =	vadd.f32 v13, v12  }
0x73: {  	v20 =	vor.u32 v1, v20  }
0x74: {  	v25 =	vld.idx.msk [tilespmem:v22+s29+$0x0], $0xffff;
	v19 =	vshll.u32 v19, $0x3;
	v13 =	vshll.u32 v18, $0x3;
	v18 =	vmul.f32 $2.000000030e-01, v24  }
0x75: {  	v23 =	vld.idx.msk [tilespmem:v23+s29+$0x0], $0xffff;
	v12 =	vshll.u32 v16, $0x3;
	v16 =	vadd.s32 s18, v7;
	vm0 =	vge.f32 v24, $0.0e+00  }
0x76: {  	s20 =	simm.s32 $0x38;
	v19 =	vor.u32 v1, v19;
	v26 =	vld.idx.msk [tilespmem:v10+s29+$0x0], $0xffff;
	v21 =	vadd.f32 v21, v14;
	v14 =	vsel vm0, v24, v18  }
0x77: {  	s24 =	simm.s32 $0x30;
	v28 =	vadd.s32 s20, v7;
	v17 =	vld.idx.msk [tilespmem:v17+s11+$0x0], $0xffff;
	v27 =	vor.u32 v2, v13;
	v18 =	vsub.f32 v14, v8  }
0x78: {  	v30 =	vadd.s32 s24, v7;
	v22 =	vshll.u32 v22, $0x3;
	v20 =	vld.idx.msk [tilespmem:v20+s11+$0x0], $0xffff;
	v13 =	vor.u32 v0, v12  }
0x79: {  	v12 =	vor.u32 v0, v22;
	v22 =	vor.u32 s20, v4;
	v18 =	vmul.f32 $1.442695020e+00, v18  }
0x7a: {  	v11 =	vshll.u32 v11, $0x3;
	v15 =	vshll.u32 v15, $0x3;
	v25 =	vshll.u32 v25, $0x3;
	v16 =	vld.idx.msk [tilespmem:v16+s29+$0x0], $0xffff  }
0x7b: {  	v29 =	vld.idx.msk [tilespmem:v19+s11+$0x0], $0xffff;
	v19 =	vshll.u32 v26, $0x3;
	v14 =	vor.u32 s24, v4;
	(erf) = vpow2.f32 v18  }
0x7c: {  	v32 =	vshll.u32 v22, $0x3;
	v24 =	vmul.f32 $2.000000030e-01, v21;
	v26 =	vld.idx.msk [tilespmem:v27+s11+$0x0], $0xffff;
	v27 =	vor.u32 v1, v19  }
0x7d: {  	vm0 =	vge.f32 v21, $0.0e+00;
	v31 =	vadd.f32 v17, v20;
	v19 =	vshll.u32 v23, $0x3  }
0x7e: {  	v17 =	vor.u32 v1, v25;
	v21 =	vsel vm0, v21, v24;
	v24 =	vor.u32 v2, v19;
	v18 =	vld.idx.msk [tilespmem:v22+s29+$0x0], $0xffff  }
0x7f: {  	v25 =	vsub.f32 v21, v8;
	v33 =	vmul.f32 $2.000000030e-01, v31;
	v22 =	vld.idx.msk [tilespmem:v30+s29+$0x0], $0xffff;
	v16 =	vshll.u32 v16, $0x3  }
0x80: {  	vm0 =	vge.f32 v31, $0.0e+00;
	v19 =	vld.idx.msk [tilespmem:v14+s29+$0x0], $0xffff;
	v21 =	vor.u32 v2, v16;
	v16 =	vor.u32 v0, v15  }
0x81: {  	v23 =	vadd.f32 v26, v29;
	v20 =	vld.idx.msk [tilespmem:v27+s11+$0x0], $0xffff;
	v26 =	vsel vm0, v31, v33;
	v29 =	vmul.f32 $1.442695020e+00, v25  }
0x82: {  	v11 =	vor.u32 v0, v11;
	v15 =	vor.u32 v0, v32;
	v25 =	vld.idx.msk [tilespmem:v28+s29+$0x0], $0xffff;
	v27 =	vsub.f32 v26, v8  }
0x83: {  	s15 =	simm.s32 $0x48;
	s14 =	simm.s32 $0x6;
	s18 =	simm.s32 $0x0;
	v24 =	vld.idx.msk [tilespmem:v24+s11+$0x0], $0xffff;
	vm0 =	vge.f32 v23, $0.0e+00;
	v26 =	vmul.f32 $2.000000030e-01, v23;
	(erf) = vpow2.f32 v29  }
.LBB2_5:
0x84: {  	s19 =	sadd.s32 $0xFFFFFFF8, s15;
	v28 =	vor.u32 s15, v4;
	v29 =	vadd.s32 s15, v7;
	v30 =	vld.idx.msk [tilespmem:v17+s18+$0x0], $0xffff;
	v17 =	vmul.f32 $1.442695020e+00, v27;
	v27 =	vpop (erf)  }
0x85: {  	v18 =	vshll.u32 v18, $0x3;
	s13 =	simm.s32 $0x139A0;
	v31 =	vor.u32 s19, v4;
	v32 =	vld.idx.msk [tilespmem:v21+s18+$0x0], $0xffff;
	v21 =	vsel vm0, v23, v26;
	[tilespmem:v16+s25+$0x0] =	vst.idx.msk $0xffff, v27  }
0x86: {  	s14 =	sadd.s32 $0x2, s14;
	v19 =	vshll.u32 v19, $0x3;
	v16 =	vadd.s32 s19, v7;
	(erf) = vpow2.f32 v17  }
0x87: {  	p1 =	slt.u32 s14, $0x8;
	v26 =	vor.u32 v1, v19;
	v19 =	vshll.u32 v22, $0x3;
	v17 =	vor.u32 v1, v18  }
0x88: {  	v27 =	vor.u32 v2, v19;
	v33 =	vsub.f32 v21, v8;
	v24 =	vadd.f32 v24, v20  }
0x89: {  	v20 =	vshll.u32 v28, $0x3;
	v21 =	vshll.u32 v25, $0x3;
	v18 =	vld.idx.msk [tilespmem:v28+s29+$0x0], $0xffff  }
.Ltmp3:
0x8a: {  	v21 =	vor.u32 v2, v21;
	v25 =	vmul.f32 $2.000000030e-01, v24;
	v28 =	vshll.u32 v9, $0x3;
	v9 =	vmovc v10;
	v10 =	vmovc v14;
	v19 =	vld.idx.msk [tilespmem:v31+s29+$0x0], $0xffff;
	(pc) =	sbr.rel @p1 .LBB2_5-.Ltmp3, $4  }
0x8b: {  	s18 =	simm.s32 $0x0;
	vm0 =	vge.f32 v24, $0.0e+00;
	v14 =	vmovc v31;
	v23 =	vadd.f32 v32, v30;
	v22 =	vld.idx.msk [tilespmem:v16+s29+$0x0], $0xffff;
	v16 =	vor.u32 v0, v28  }
0x8c: {  	v30 =	vmul.f32 $1.442695020e+00, v33;
	v28 =	vor.u32 v0, v20;
	v25 =	vsel vm0, v24, v25;
	v20 =	vld.idx.msk [tilespmem:v26+s18+$0x0], $0xffff;
	v31 =	vpop (erf)  }
0x8d: {  	vm0 =	vge.f32 v23, $0.0e+00;
	v26 =	vmul.f32 $2.000000030e-01, v23;
	v24 =	vld.idx.msk [tilespmem:v27+s18+$0x0], $0xffff;
	v27 =	vsub.f32 v25, v8;
	[tilespmem:v11+s25+$0x0] =	vst.idx.msk $0xffff, v31  }
0x8e: {  	s15 =	sadd.s32 $0x10, s15;
	v11 =	vmovc v13;
	v13 =	vmovc v12;
	v12 =	vmov v15;
	v15 =	vmov v28;
	v25 =	vld.idx.msk [tilespmem:v29+s29+$0x0], $0xffff;
	(erf) = vpow2.f32 v30  }
0x8f: {  	_ = 	snop  }
0x90: {  	v19 =	vshll.u32 v19, $0x3  }
0x91: {  	v18 =	vshll.u32 v18, $0x3;
	v19 =	vor.u32 v1, v19  }
0x92: {  	v22 =	vshll.u32 v22, $0x3;
	v18 =	vor.u32 v1, v18  }
0x93: {  	v22 =	vor.u32 v2, v22;
	v25 =	vshll.u32 v25, $0x3  }
0x94: {  	v17 =	vld.idx.msk [tilespmem:v17+s18+$0x0], $0xffff;
	v25 =	vor.u32 v2, v25  }
0x95: {  	v21 =	vld.idx.msk [tilespmem:v21+s18+$0x0], $0xffff  }
0x96: {  	v19 =	vld.idx.msk [tilespmem:v19+s18+$0x0], $0xffff  }
0x97: {  	v18 =	vld.idx.msk [tilespmem:v18+s18+$0x0], $0xffff  }
0x98: {  	v22 =	vld.idx.msk [tilespmem:v22+s18+$0x0], $0xffff  }
0x99: {  	v53 =	vld.idx.msk [tilespmem:v25+s18+$0x0], $0xffff  }
0x9a: {  	v54 =	vmul.f32 $1.442695020e+00, v27;
	v23 =	vsel vm0, v23, v26;
	v20 =	vadd.f32 v24, v20  }
0x9b: {  	v23 =	vsub.f32 v23, v8  }
0x9c: {  	(erf) = vpow2.f32 v54;
	v55 =	vmul.f32 $2.000000030e-01, v20;
	v17 =	vadd.f32 v21, v17  }
0x9d: {  	v56 =	vmul.f32 $1.442695020e+00, v23;
	vm12 =	vge.f32 v20, $0.0e+00;
	v19 =	vadd.f32 v22, v19  }
0x9e: {  	v20 =	vsel vm12, v20, v55;
	v57 =	vmul.f32 $2.000000030e-01, v17;
	v18 =	vadd.f32 v53, v18  }
0x9f: {  	vm13 =	vge.f32 v17, $0.0e+00;
	v20 =	vsub.f32 v20, v8;
	v58 =	vmul.f32 $2.000000030e-01, v19  }
0xa0: {  	v17 =	vsel vm13, v17, v57;
	vm14 =	vge.f32 v19, $0.0e+00;
	v59 =	vmul.f32 $2.000000030e-01, v18  }
0xa1: {  	v17 =	vsub.f32 v17, v8;
	v19 =	vsel vm14, v19, v58;
	vm15 =	vge.f32 v18, $0.0e+00  }
0xa2: {  	v20 =	vmul.f32 $1.442695020e+00, v20;
	v19 =	vsub.f32 v19, v8;
	v18 =	vsel vm15, v18, v59  }
0xa3: {  	(erf) = vpow2.f32 v56;
	v17 =	vmul.f32 $1.442695020e+00, v17;
	v18 =	vsub.f32 v18, v8  }
0xa4: {  	(erf) = vpow2.f32 v20;
	v19 =	vmul.f32 $1.442695020e+00, v19  }
0xa5: {  	(erf) = vpow2.f32 v17;
	v60 =	vmul.f32 $1.442695020e+00, v18  }
0xa6: {  	v9 =	vshll.u32 v9, $0x3;
	(erf) = vpow2.f32 v19  }
0xa7: {  	v9 =	vor.u32 v0, v9;
	(erf) = vpow2.f32 v60  }
0xa8: {  	v10 =	vshll.u32 v10, $0x3  }
0xa9: {  	v61 =	vpop (erf);
	v14 =	vshll.u32 v14, $0x3;
	v10 =	vor.u32 v0, v10  }
0xaa: {  	[tilespmem:v16+s25+$0x0] =	vst.idx.msk $0xffff, v61;
	v62 =	vpop (erf)  }
0xab: {  	[tilespmem:v11+s25+$0x0] =	vst.idx.msk $0xffff, v62;
	v11 =	vor.u32 v0, v14;
	v63 =	vpop (erf)  }
0xac: {  	p2 =	por $0x1, $0x1;
	[tilespmem:v9+s25+$0x0] =	vst.idx.msk $0xffff, v63;
	v14 =	vpop (erf)  }
.Ltmp4:
0xad: {  	[tilespmem:v13+s25+$0x0] =	vst.idx.msk $0xffff, v14;
	v9 =	vpop (erf);
	(pc) =	sbr.rel @!p2 .LBB2_7-.Ltmp4, $4  }
0xae: {  	[tilespmem:v10+s25+$0x0] =	vst.idx.msk $0xffff, v9;
	v13 =	vpop (erf)  }
0xaf: {  	[tilespmem:v12+s25+$0x0] =	vst.idx.msk $0xffff, v13;
	v9 =	vpop (erf)  }
0xb0: {  	s24 =	simm.s32 $0x0;
	[tilespmem:v11+s25+$0x0] =	vst.idx.msk $0xffff, v9;
	v9 =	vpop (erf)  }
0xb1: {  	s19 =	simm.s32 $0x8;
	s20 =	simm.s32 $0x18;
	p1 =	por $0x0, $0x0;
	v12 =	vmov s24;
	[tilespmem:v15+s25+$0x0] =	vst.idx.msk $0xffff, v9  }
0xb2: {  	_ =	sdelay $0x1  }
0xb3: {  	v9 =	vmov s20;
	_ =	sdelay $0x1  }
0xb4: {  	v11 =	vld.idx.msk [tilespmem:v12+s25+$0x0], $0xffff  }
0xb5: {  	v14 =	vld [tilespmem:s13+$0x40]  }
0xb6: {  	v10 =	vmov s19;
	v15 =	vld [tilespmem:s13+$0x50]  }
0xb7: {  	v13 =	vld.idx.msk [tilespmem:v9+s25+$0x0], $0xffff  }
0xb8: {  	s14 =	simm.s32 $0x10;
	v18 =	vld [tilespmem:s13+$0xFFFFFF80]  }
0xb9: {  	v19 =	vld [tilespmem:s13+$0xFFFFFF90];
	v17 =	vmov s14  }
0xba: {  	v21 =	vld [tilespmem:s13+$0xFFFFFFC0]  }
0xbb: {  	v16 =	vld.idx.msk [tilespmem:v10+s25+$0x0], $0xffff;
	v9 =	vor.u32 $0x1, v9  }
0xbc: {  	v14 =	vmul.f32 v14, v13;
	v13 =	vmul.f32 v15, v13;
	v15 =	vld [tilespmem:s13+$0xFFFFFFD0]  }
0xbd: {  	v22 =	vld [tilespmem:s13+$0x0]  }
0xbe: {  	v12 =	vor.u32 $0x1, v12;
	v20 =	vld.idx.msk [tilespmem:v17+s25+$0x0], $0xffff;
	[tilespmem:s13+$0x50] =	vst v13;
	v13 =	vmul.f32 v18, v11  }
0xbf: {  	v10 =	vor.u32 $0x1, v10;
	[tilespmem:s13+$0x40] =	vst v14;
	v11 =	vmul.f32 v19, v11;
	v18 =	vld [tilespmem:s13+$0x70]  }
0xc0: {  	v19 =	vmul.f32 v21, v16;
	v9 =	vld.idx.msk [tilespmem:v9+s25+$0x0], $0xffff;
	[tilespmem:s13+$0xFFFFFF80] =	vst v13  }
0xc1: {  	v63 =	vld [tilespmem:s13+$0x10];
	[tilespmem:s13+$0xFFFFFF90] =	vst v11;
	v11 =	vmul.f32 v15, v16  }
0xc2: {  	p2 =	por $0x1, $0x1;
	v14 =	vld [tilespmem:s13+$0xFFFFFFA0];
	[tilespmem:s13+$0xFFFFFFC0] =	vst v19  }
.Ltmp5:
0xc3: {  	v13 =	vld.idx.msk [tilespmem:v12+s25+$0x0], $0xffff;
	[tilespmem:s13+$0xFFFFFFD0] =	vst v11;
	(pc) =	sbr.rel @!p2 .LBB2_9-.Ltmp5, $4  }
0xc4: {  	v12 =	vmul.f32 v22, v20;
	v11 =	vld.idx.msk [tilespmem:v10+s25+$0x0], $0xffff;
	v10 =	vor.u32 $0x1, v17  }
0xc5: {  	s24 =	simm.s32 $0x20;
	v15 =	vld [tilespmem:s13+$0xFFFFFFB0];
	v19 =	vmul.f32 v18, v9  }
0xc6: {  	s19 =	simm.s32 $0x28;
	s20 =	simm.s32 $0x38;
	s18 =	simm.s32 $0x8;
	v16 =	vld [tilespmem:s13+$0xFFFFFFE0];
	[tilespmem:s13+$0x0] =	vst v12;
	v18 =	vmul.f32 v63, v20  }
0xc7: {  	p1 =	por $0x1, $0x1;
	s15 =	simm.s32 $0x139A0;
	s14 =	simm.s32 $0x139A0;
	v12 =	vmov s24;
	v17 =	vld [tilespmem:s13+$0xFFFFFFF0];
	[tilespmem:s13+$0x70] =	vst v19  }
.LBB2_10:
0xc8: {  	p2 =	slt.u32 s18, $0x4C;
	v19 =	vor.u32 $0x1, v12;
	v20 =	vmov s19;
	s19 =	sadd.s32 $0x10, s24;
	v21 =	vmov s20;
	[tilespmem:s15+$0x10] =	vst v18;
	v18 =	vld [tilespmem:s15+$0x20]  }
0xc9: {  	v14 =	vmul.f32 v14, v13;
	v22 =	vor.u32 $0x1, v20;
	v23 =	vmov s19;
	v24 =	vld.idx.msk [tilespmem:v10+s25+$0x0], $0xffff  }
0xca: {  	v13 =	vmul.f32 v15, v13;
	v10 =	vor.u32 $0x1, v23;
	v15 =	vld [tilespmem:s15+$0x30]  }
0xcb: {  	[tilespmem:s15+$0xFFFFFFA0] =	vst v14;
	v14 =	vmul.f32 v16, v11;
	v16 =	vld [tilespmem:s15+$0x60]  }
0xcc: {  	v12 =	vld.idx.msk [tilespmem:v12+s25+$0x0], $0xffff;
	[tilespmem:s15+$0xFFFFFFB0] =	vst v13;
	v11 =	vmul.f32 v17, v11  }
0xcd: {  	s15 =	sadd.s32 $0x100, s15;
	v13 =	vld.idx.msk [tilespmem:v21+s25+$0x0], $0xffff;
	[tilespmem:s14+$0xFFFFFFE0] =	vst v14  }
0xce: {  	v14 =	vld [tilespmem:s15+$0x40];
	[tilespmem:s14+$0xFFFFFFF0] =	vst v11  }
0xcf: {  	v17 =	vmul.f32 v18, v24;
	v11 =	vld [tilespmem:s15+$0x50];
	v15 =	vmul.f32 v15, v24  }
0xd0: {  	v18 =	vld.idx.msk [tilespmem:v20+s25+$0x0], $0xffff;
	v9 =	vmul.f32 v16, v9  }
0xd1: {  	v20 =	vld.idx.msk [tilespmem:v23+s25+$0x0], $0xffff;
	[tilespmem:s14+$0x20] =	vst v17  }
0xd2: {  	v17 =	vor.u32 $0x1, v21;
	v16 =	vld [tilespmem:s15+$0xFFFFFF80];
	[tilespmem:s14+$0x30] =	vst v15  }
0xd3: {  	v15 =	vld [tilespmem:s15+$0xFFFFFF90];
	v14 =	vmul.f32 v14, v13;
	[tilespmem:s14+$0x60] =	vst v9;
	s14 =	smov.u32 s15  }
0xd4: {  	v21 =	vld [tilespmem:s15+$0xFFFFFFC0];
	v9 =	vmul.f32 v11, v13  }
0xd5: {  	v11 =	vld [tilespmem:s15+$0xFFFFFFD0];
	[tilespmem:s15+$0x40] =	vst v14  }
0xd6: {  	v23 =	vld [tilespmem:s15+$0x0];
	[tilespmem:s15+$0x50] =	vst v9  }
0xd7: {  	v13 =	vmul.f32 v16, v12;
	v9 =	vld.idx.msk [tilespmem:v17+s25+$0x0], $0xffff  }
0xd8: {  	v12 =	vmul.f32 v15, v12;
	v16 =	vld [tilespmem:s15+$0x70]  }
0xd9: {  	[tilespmem:s15+$0xFFFFFF80] =	vst v13;
	v15 =	vmul.f32 v21, v18;
	v17 =	vld [tilespmem:s15+$0x10]  }
0xda: {  	[tilespmem:s15+$0xFFFFFF90] =	vst v12;
	v14 =	vld [tilespmem:s15+$0xFFFFFFA0];
	v11 =	vmul.f32 v11, v18  }
.Ltmp6:
0xdb: {  	v13 =	vld.idx.msk [tilespmem:v19+s25+$0x0], $0xffff;
	[tilespmem:s15+$0xFFFFFFC0] =	vst v15;
	v12 =	vmul.f32 v23, v20;
	(pc) =	sbr.rel @p2 .LBB2_10-.Ltmp6, $4  }
0xdc: {  	v15 =	vld [tilespmem:s15+$0xFFFFFFB0];
	[tilespmem:s15+$0xFFFFFFD0] =	vst v11  }
0xdd: {  	v11 =	vld.idx.msk [tilespmem:v22+s25+$0x0], $0xffff;
	[tilespmem:s15+$0x0] =	vst v12;
	v19 =	vmul.f32 v16, v9  }
0xde: {  	s24 =	sshll.u32 s18, $0x3;
	v16 =	vld [tilespmem:s15+$0xFFFFFFE0];
	v18 =	vmul.f32 v17, v20  }
0xdf: {  	s18 =	sadd.s32 $0x4, s18;
	s19 =	sadd.s32 $0x8, s24;
	s20 =	sadd.s32 $0x18, s24;
	v12 =	vmov s24;
	v17 =	vld [tilespmem:s15+$0xFFFFFFF0];
	[tilespmem:s15+$0x70] =	vst v19  }
.LBB2_11:
0xe0: {  	_ = 	snop  }
0xe1: {  	v19 =	vld @p1 [tilespmem:s15+$0x20]  }
0xe2: {  	v20 =	vld @p1 [tilespmem:s15+$0x30]  }
0xe3: {  	v22 =	vld @p1 [tilespmem:s15+$0x60]  }
0xe4: {  	[tilespmem:s15+$0x10] =	vst @p1 v18;
	v23 =	vld.idx.msk [tilespmem:v12+s25+$0x0], $0xffff;
	s18 =	sadd.s32 @p1 $0x100, s15  }
0xe5: {  	v10 =	vld.idx.msk @p1 [tilespmem:v10+s25+$0x0], $0xffff;
	s13 =	smov.u32 @p1 s18  }
0xe6: {  	v26 =	vld [tilespmem:s13+$0x40]  }
0xe7: {  	v27 =	vld [tilespmem:s13+$0x50]  }
0xe8: {  	v43 =	vmov s20;
	v29 =	vld [tilespmem:s13+$0xFFFFFF80]  }
0xe9: {  	v30 =	vld [tilespmem:s13+$0xFFFFFF90]  }
0xea: {  	v21 =	vmov s19;
	v45 =	vld [tilespmem:s13+$0xFFFFFFC0]  }
0xeb: {  	s24 =	sadd.s32 $0x10, s24;
	v14 =	vmul.f32 @p1 v14, v13;
	v46 =	vld [tilespmem:s13+$0xFFFFFFD0]  }
0xec: {  	v25 =	vmov s24;
	v13 =	vmul.f32 @p1 v15, v13;
	v48 =	vld [tilespmem:s13+$0x0]  }
0xed: {  	[tilespmem:s15+$0xFFFFFFA0] =	vst @p1 v14;
	v16 =	vmul.f32 @p1 v16, v11;
	v24 =	vld.idx.msk [tilespmem:v43+s25+$0x0], $0xffff  }
0xee: {  	v51 =	vld [tilespmem:s13+$0x10];
	[tilespmem:s15+$0xFFFFFFB0] =	vst @p1 v13;
	v11 =	vmul.f32 @p1 v17, v11  }
0xef: {  	v28 =	vld.idx.msk [tilespmem:v21+s25+$0x0], $0xffff;
	[tilespmem:s14+$0xFFFFFFE0] =	vst @p1 v16;
	v9 =	vmul.f32 @p1 v22, v9  }
0xf0: {  	v47 =	vor.u32 $0x1, v12;
	v52 =	vld [tilespmem:s13+$0x70];
	[tilespmem:s14+$0xFFFFFFF0] =	vst @p1 v11;
	v49 =	vmul.f32 v29, v23  }
0xf1: {  	v31 =	vld.idx.msk [tilespmem:v25+s25+$0x0], $0xffff;
	v50 =	vmul.f32 v30, v23;
	[tilespmem:s14+$0x60] =	vst @p1 v9  }
0xf2: {  	v18 =	vor.u32 $0x1, v43;
	v53 =	vld [tilespmem:s13+$0xFFFFFFA0];
	[tilespmem:s13+$0xFFFFFF80] =	vst v49;
	v26 =	vmul.f32 v26, v24  }
0xf3: {  	v55 =	vld [tilespmem:s13+$0xFFFFFFB0];
	v21 =	vor.u32 $0x1, v21;
	[tilespmem:s13+$0xFFFFFF90] =	vst v50;
	v44 =	vmul.f32 v27, v24  }
0xf4: {  	v57 =	vld [tilespmem:s13+$0xFFFFFFE0];
	v24 =	vmul.f32 v45, v28;
	[tilespmem:s13+$0x40] =	vst v26  }
0xf5: {  	v54 =	vor.u32 $0x1, v25;
	v15 =	vmul.f32 v46, v28;
	v12 =	vld.idx.msk [tilespmem:v47+s25+$0x0], $0xffff;
	[tilespmem:s13+$0x50] =	vst v44  }
0xf6: {  	v58 =	vld [tilespmem:s13+$0xFFFFFFF0];
	v14 =	vmul.f32 v48, v31;
	[tilespmem:s13+$0xFFFFFFC0] =	vst v24  }
0xf7: {  	v56 =	vmul.f32 v51, v31;
	[tilespmem:s13+$0xFFFFFFD0] =	vst v15;
	v18 =	vld.idx.msk [tilespmem:v18+s25+$0x0], $0xffff  }
0xf8: {  	v19 =	vmul.f32 @p1 v19, v10;
	v10 =	vmul.f32 @p1 v20, v10;
	v11 =	vld.idx.msk [tilespmem:v21+s25+$0x0], $0xffff;
	[tilespmem:s13+$0x0] =	vst v14  }
0xf9: {  	v59 =	vld [tilespmem:s13+$0x20];
	[tilespmem:s13+$0x10] =	vst v56  }
0xfa: {  	[tilespmem:s14+$0x30] =	vst @p1 v10;
	v10 =	vld.idx.msk [tilespmem:v54+s25+$0x0], $0xffff;
	v60 =	vmul.f32 v53, v12  }
0xfb: {  	v61 =	vld [tilespmem:s13+$0x30];
	[tilespmem:s14+$0x20] =	vst @p1 v19;
	v9 =	vmul.f32 v55, v12  }
0xfc: {  	v62 =	vld [tilespmem:s13+$0x60];
	[tilespmem:s13+$0xFFFFFFA0] =	vst v60;
	v13 =	vmul.f32 v52, v18  }
0xfd: {  	[tilespmem:s13+$0xFFFFFFB0] =	vst v9;
	v63 =	vmul.f32 v57, v11  }
0xfe: {  	v9 =	vmul.f32 v58, v11;
	[tilespmem:s13+$0x70] =	vst v13  }
0xff: {  	v11 =	vmul.f32 v59, v10;
	[tilespmem:s13+$0xFFFFFFE0] =	vst v63  }
0x100: {  	[tilespmem:s13+$0xFFFFFFF0] =	vst v9;
	v9 =	vmul.f32 v61, v10  }
0x101: {  	v10 =	vmul.f32 v62, v18;
	[tilespmem:s13+$0x20] =	vst v11  }
0x102: {  	[tilespmem:s13+$0x30] =	vst v9  }
0x103: {  	[tilespmem:s13+$0x60] =	vst v10  }
0x104: {  	[spmem:s1] =	stream.indirect.scatter.add.f32 [tilespmem:s30], [sflag:$0x2], $0x40, s0, s26, $0xb8;
	[tilespmem:$0x1FF78] =	vst v63  }
0x105: {  	_ =	swait.ge [sflag:s23], $0x1400  }
0x106: {  	s12 =	sadd.s32 $0x1, s12;
	[sflag:s23] =	ssyncset.done $0x0  }
0x107: {  	p1 =	sne.s32 s12, $0xFA;
	[sflag:s23] =	ssyncadd.s32 $0xFFFFEC00  }
0x108: {  	[spmem:s3] =	stream.indirect.scatter.add.f32 [tilespmem:s25], [sflag:$0x2], $0x8, s0, s26, $0xb8;
	[tilespmem:$0x1FF78] =	vst v63  }
.Ltmp7:
0x109: {  	_ = 	snop;
	(pc) =	sbr.rel @p1 .LBB2_4-.Ltmp7, $4  }
.Ltmp8:
0x10a: {  	_ = 	snop;
	(pc) =	sbr.rel @!p1 .LBB2_12-.Ltmp8, $4  }
0x10b: {  	_ =	swait.ge [sflag:s23], $0x280  }
0x10c: {  	[sflag:s23] =	ssyncset.done $0x0  }
0x10d: {  	[sflag:s23] =	ssyncadd.s32 $0xFFFFFD80  }
0x10e: {  	_ = 	snop  }
.LBB2_7:
.Ltmp9:
0x10f: {  	(pc) =	sbr.rel .LBB2_11-.Ltmp9, $2  }
0x110: {  	_ =	sdelay $0x2  }
0x111: {  	s15 =	simm.s32 $0x139A0  }
.LBB2_9:
.Ltmp10:
0x112: {  	(pc) =	sbr.rel .LBB2_11-.Ltmp10, $2  }
0x113: {  	_ =	sdelay $0x2  }
0x114: {  	s15 =	simm.s32 $0x139A0;
	s14 =	simm.s32 $0x139A0  }
.LBB2_13:
0x115: {  	_ =	sfence.sel $0x180000  }
0x116: {  	[bflag:$0x0] =	sbarrier.arrive $0xFFFF  }
0x117: {  	_ =	strace $0x90000047  }
0x118: {  	s0 =	stileid.u32;
	[bflag:$0x2] =	sbarrier.arrive $0xFFFF  }
0x119: {  	p0 =	sne.s32 s0, $0x0;
	s0 =	rddreg [dreg:$0x4]  }
0x11a: {  	s0 =	sadd.s32 @!p0 $0x100000, s0  }
0x11b: {  	[sflag:s0] =	ssyncadd.tile.s32 @!p0 $0x1;
	_ =	shalt  }
.Lfunc_end2:
_tile_overlayer_lowered:
.L_overlay_start_2:
0x11c: {  	(tag) =	ssettag $0x2  }
0x11d: {  	s0 =	rddreg [dreg:$0x0];
	s2 =	stileid.u32  }
0x11e: {  	s1 =	rddreg [dreg:$0x1];
	p0 =	sne.s32 s2, $0x0  }
0x11f: {  	s3 =	rddreg [dreg:$0x2];
	[bflag:$0x3] =	sbarrier.arrive $0xFFFF;
	s2 =	simm.s32 @!p0 $0x1C02  }
0x120: {  	[timem:s3], [sflag:s2] =	dma.local @!p0 [hbm:s0], s1  }
0x121: {  	s0 =	simm.s32 @!p0 $0x2  }
0x122: {  	_ =	swait.ge @!p0 [sflag:s0], s1  }
0x123: {  	s1 =	ssub.s32 @!p0 $0x0, s1;
	[sflag:s0] =	ssyncset.done @!p0 $0x0  }
0x124: {  	[sflag:s0] =	ssyncadd.s32 @!p0 s1  }
0x125: {  	[bflag:$0x3] =	sbarrier.arrive $0xFFFF  }
0x126: {  	_ =	shalt  }

</sc_bundles>
